<compile_context>
chip_gen: v7x
topology: tpu7x:2x2x1
jax: 0.10.2.dev20260603
libtpu: 0.0.44.dev20260713+nightly
codegen_flags: <defaults>
</compile_context>

<pallas_src>
import functools

import jax
import jax.numpy as jnp
from jax import lax
from jax.experimental import pallas as pl
from jax.experimental.pallas import tpu as pltpu
from jax.experimental.pallas import tpu_sc as plsc

N = 10000
E = 320000
D_IN = 128
D_E = 16
D_OUT = 128

NC = 2
NS = 16
ETILES = E // 128
NQ = 4
FG = 8
ET_Q = ETILES // NQ
ET_CH = 125
NCH = ET_Q // ET_CH
N_PAD = 10240

_sc_mesh = plsc.VectorSubcoreMesh(core_axis_name="c", subcore_axis_name="s")


@functools.partial(
    pl.kernel,
    out_type=jax.ShapeDtypeStruct((NQ, D_E, N_PAD), jnp.float32),
    mesh=_sc_mesh,
    scratch_types=[
        pltpu.VMEM((2, N), jnp.float32),
        pltpu.VMEM((2, ET_CH, 2, 128), jnp.float32),
        pltpu.VMEM((2, ET_CH, 1, 128), jnp.int32),
        pltpu.SemaphoreType.DMA,
        pltpu.SemaphoreType.DMA,
        pltpu.SemaphoreType.DMA,
        pltpu.SemaphoreType.DMA,
    ],
    compiler_params=pltpu.CompilerParams(
        use_tc_tiling_on_sc=False, needs_layout_passes=False),
)
def _sc_segment_sum(ef_hbm, ei_hbm, out_hbm, acc, vals, idx,
                    sv0, sv1, si0, si1):
    c = lax.axis_index("c")
    s = lax.axis_index("s")
    wid = c * NS + s
    fg = wid % FG
    q = wid // FG
    half = fg // 4
    ds0 = (fg % 4) * 2

    sems_v = (sv0, sv1)
    sems_i = (si0, si1)

    def start(ch, b):
        et0 = q * ET_Q + ch * ET_CH
        cv = pltpu.async_copy(
            ef_hbm.at[half, pl.ds(et0, ET_CH), pl.ds(ds0, 2)],
            vals.at[b], sems_v[b])
        ci = pltpu.async_copy(
            ei_hbm.at[pl.ds(et0, ET_CH), pl.ds(1, 1)],
            idx.at[b], sems_i[b])
        return cv, ci

    pend = start(0, 0)

    zeros16 = jnp.zeros((16,), jnp.float32)

    @plsc.parallel_loop(0, N // 16, unroll=4)
    def _zero(i):
        acc[0, pl.ds(i * 16, 16)] = zeros16
        acc[1, pl.ds(i * 16, 16)] = zeros16
    for ch in range(NCH):
        b = ch % 2
        pend[0].wait()
        pend[1].wait()
        if ch + 1 < NCH:
            pend = start(ch + 1, (ch + 1) % 2)

        @plsc.parallel_loop(0, ET_CH * 8, unroll=8)
        def _scatter(i):
            et = i // 8
            l = i % 8
            iv = idx[b, et, 0, pl.ds(l * 16, 16)]
            for f in range(2):
                vv = vals[b, et, f, pl.ds(l * 16, 16)]
                plsc.addupdate_scatter(acc.at[f], [iv], vv)

    pltpu.sync_copy(acc, out_hbm.at[q, pl.ds(2 * fg, 2), pl.ds(0, N)])


BN = 2048
NB = pl.cdiv(N, BN)


def _pre_body(nf_ref, w1a0, b10, t0_ref):
    t0_ref[...] = jnp.dot(nf_ref[...], w1a0[...],
                          preferred_element_type=jnp.float32) + b10[...]


def _mlp_body(t0_ref, part_ref,
              w1b0, w20, b20,
              w1a1, w1b1, b11, w21, b21,
              out_ref):
    p = part_ref[...]
    hnT = (p[0] + p[1] + p[2] + p[3]).reshape(D_E, BN)
    dn = (((0,), (0,)), ((), ()))
    x = t0_ref[...]
    x = x + lax.dot_general(hnT, w1b0[...], dn, preferred_element_type=jnp.float32)
    x = jnp.maximum(x, 0.0)
    x = jnp.maximum(jnp.dot(x, w20[...], preferred_element_type=jnp.float32) + b20[...], 0.0)
    y = jnp.dot(x, w1a1[...], preferred_element_type=jnp.float32)
    y = y + lax.dot_general(hnT, w1b1[...], dn, preferred_element_type=jnp.float32)
    y = jnp.maximum(y + b11[...], 0.0)
    y = jnp.maximum(jnp.dot(y, w21[...], preferred_element_type=jnp.float32) + b21[...], 0.0)
    out_ref[...] = y


def _row_spec(d):
    return pl.BlockSpec((BN, d), lambda i: (i, 0))


def _full_spec(*shape):
    return pl.BlockSpec(shape, lambda i: (0,) * len(shape))


_pre_call = pl.pallas_call(
    _pre_body,
    grid=(NB,),
    in_specs=[
        _row_spec(D_IN),
        _full_spec(D_IN, D_OUT), _full_spec(1, D_OUT),
    ],
    out_specs=_row_spec(D_OUT),
    out_shape=jax.ShapeDtypeStruct((N, D_OUT), jnp.float32),
)

_mlp_call = pl.pallas_call(
    _mlp_body,
    grid=(NB,),
    in_specs=[
        _row_spec(D_OUT),
        pl.BlockSpec((NQ, 2, 8, BN // 128, 128), lambda i: (0, 0, 0, i, 0)),
        _full_spec(D_E, D_OUT),
        _full_spec(D_OUT, D_OUT), _full_spec(1, D_OUT),
        _full_spec(D_OUT, D_OUT), _full_spec(D_E, D_OUT), _full_spec(1, D_OUT),
        _full_spec(D_OUT, D_OUT), _full_spec(1, D_OUT),
    ],
    out_specs=_row_spec(D_OUT),
    out_shape=jax.ShapeDtypeStruct((N, D_OUT), jnp.float32),
)


@jax.jit
def kernel(nfeats, efeats, edge_index, W1_0, b1_0, W2_0, b2_0,
           W1_1, b1_1, W2_1, b2_1):
    ef2 = efeats.reshape(E, D_E).T.reshape(2, 8, ETILES, 128).transpose(0, 2, 1, 3)
    ei3 = edge_index.reshape(2, ETILES, 128).transpose(1, 0, 2)

    part = _sc_segment_sum(ef2, ei3)
    part5 = part.reshape(NQ, 2, 8, N_PAD // 128, 128)

    nf = nfeats.reshape(N, D_IN)
    t0 = _pre_call(nf, W1_0[:D_IN], b1_0.reshape(1, D_OUT))
    out = _mlp_call(
        t0, part5,
        W1_0[D_IN:],
        W2_0, b2_0.reshape(1, D_OUT),
        W1_1[:D_OUT], W1_1[D_IN:], b1_1.reshape(1, D_OUT),
        W2_1, b2_1.reshape(1, D_OUT),
    )
    return out

# --- scband reference (transcript-rebuilt; emitter-appended) ---
"""Pipeline reference for scband-gin-352187318576 (READ-ONLY COPY).

The authoritative reference and input builder live on the scoring server;
editing this copy changes nothing except your own understanding.
"""

import jax, jax.numpy as jnp
import numpy as np

N = 10000
E = 320000
D_IN = 128
D_E = 16
D_OUT = 128


def setup_inputs(seed: int = 0) -> dict:
    key = jax.random.key(seed)
    ks = jax.random.split(key, 12)
    nfeats = jax.random.normal(ks[0], (N, 1, D_IN), dtype=jnp.float32)
    efeats = jax.random.normal(ks[1], (E, 1, D_E), dtype=jnp.float32)
    edge_index = jax.random.randint(ks[2], (2, E), 0, N, dtype=jnp.int32)
    # layer 0 MLP: Linear(D_IN + D_E -> D_OUT), ReLU, Linear(D_OUT -> D_OUT), ReLU
    W1_0 = jax.random.normal(ks[3], (D_IN + D_E, D_OUT), dtype=jnp.float32) / np.sqrt(D_IN + D_E)
    b1_0 = jnp.zeros((D_OUT,), dtype=jnp.float32)
    W2_0 = jax.random.normal(ks[4], (D_OUT, D_OUT), dtype=jnp.float32) / np.sqrt(D_OUT)
    b2_0 = jnp.zeros((D_OUT,), dtype=jnp.float32)
    # layer 1 MLP: Linear(D_OUT + D_E -> D_OUT), ReLU, Linear(D_OUT -> D_OUT), ReLU
    W1_1 = jax.random.normal(ks[5], (D_OUT + D_E, D_OUT), dtype=jnp.float32) / np.sqrt(D_OUT + D_E)
    b1_1 = jnp.zeros((D_OUT,), dtype=jnp.float32)
    W2_1 = jax.random.normal(ks[6], (D_OUT, D_OUT), dtype=jnp.float32) / np.sqrt(D_OUT)
    b2_1 = jnp.zeros((D_OUT,), dtype=jnp.float32)
    return {"nfeats": nfeats, "efeats": efeats, "edge_index": edge_index,
            "W1_0": W1_0, "b1_0": b1_0, "W2_0": W2_0, "b2_0": b2_0,
            "W1_1": W1_1, "b1_1": b1_1, "W2_1": W2_1, "b2_1": b2_1}


def reference(nfeats, efeats, edge_index, W1_0, b1_0, W2_0, b2_0, W1_1, b1_1, W2_1, b2_1):
    dst = edge_index[1]
    n_nodes = nfeats.shape[0]

    def gin_layer(h, ef, W1, b1, W2, b2):
        # update_all(copy_e('h','m'), sum('m','h_neigh')): scatter-add edge feats to dst nodes
        h_neigh = jax.ops.segment_sum(ef, dst, num_segments=n_nodes)  # [N, 1, D_E]
        h_in = jnp.concatenate([h, h_neigh], axis=-1)
        x = jax.nn.relu(jnp.dot(h_in, W1) + b1)
        x = jax.nn.relu(jnp.dot(x, W2) + b2)
        return x

    # edge_update is falsy (undefined attribute treated as False path);
    # dropout is identity in eval/reference mode.
    h = gin_layer(nfeats, efeats, W1_0, b1_0, W2_0, b2_0)
    h = gin_layer(h, efeats, W1_1, b1_1, W2_1, b2_1)
    return h.sum(axis=1)  # [N, D_OUT]

if __name__ == "__main__":
    import jax
    _d = setup_inputs()
    print(jax.jit(kernel)(*tuple(_d.values())))

</pallas_src>

<mosaic_0001>
#map = affine_map<(d0, d1) -> (0, 0, 0, 0)>
#map1 = affine_map<(d0, d1) -> (0, 0, 0)>
module attributes {stable_mosaic.version = 14 : i64} {
  func.func @_sc_segment_sum(%arg0: i32, %arg1: i32, %arg2: memref<2x2500x8x128xf32, #tpu.memory_space<hbm>>, %arg3: memref<2500x2x128xi32, #tpu.memory_space<hbm>>, %arg4: memref<4x16x10240xf32, #tpu.memory_space<hbm>>, %arg5: memref<2x10000xf32, #tpu.memory_space<vmem>>, %arg6: memref<2x125x2x128xf32, #tpu.memory_space<vmem>>, %arg7: memref<2x125x1x128xi32, #tpu.memory_space<vmem>>, %arg8: memref<!tpu.dma_semaphore, #tpu.memory_space<semaphore_mem>>, %arg9: memref<!tpu.dma_semaphore, #tpu.memory_space<semaphore_mem>>, %arg10: memref<!tpu.dma_semaphore, #tpu.memory_space<semaphore_mem>>, %arg11: memref<!tpu.dma_semaphore, #tpu.memory_space<semaphore_mem>>) attributes {dimension_semantics = [#tpu.dimension_semantics<core_parallel>, #tpu.dimension_semantics<subcore_parallel>], iteration_bounds = array<i64: 2, 16>, scalar_prefetch = 0 : i64, scratch_operands = 7 : i64, tpu.core_type = #tpu.core_type<sc_vector_subcore>, window_params = [{transform_indices = #map}, {transform_indices = #map1}, {transform_indices = #map1}]} {
    %mul3A = arith.constant 16 : i32
    %mul3A_0 = arith.muli %arg0, %mul3A : i32
    %add3A = arith.addi %mul3A_0, %arg1 : i32
    %jit3A = arith.constant 8 : i32
    %eq3A = arith.constant 0 : i32
    %eq3A_1 = arith.cmpi eq, %jit3A, %eq3A : i32
    %jit3A_2 = arith.constant 1 : i32
    %select_n3A = arith.select %eq3A_1, %jit3A_2, %jit3A : i32
    %rem3A = arith.remsi %add3A, %select_n3A : i32
    %ne3A = arith.constant 0 : i32
    %ne3A_3 = arith.cmpi ne, %rem3A, %ne3A : i32
    %lt3A = arith.constant 0 : i32
    %lt3A_4 = arith.cmpi slt, %rem3A, %lt3A : i32
    %lt3A_5 = arith.constant 0 : i32
    %lt3A_6 = arith.cmpi slt, %select_n3A, %lt3A_5 : i32
    %ne3A_7 = arith.xori %lt3A_4, %lt3A_6 : i1
    %and3A = arith.andi %ne3A_7, %ne3A_3 : i1
    %add3A_8 = arith.addi %rem3A, %select_n3A : i32
    %select_n3A_9 = arith.select %and3A, %add3A_8, %rem3A : i32
    %jit3A_10 = arith.constant 8 : i32
    %div3A = arith.divsi %add3A, %jit3A_10 : i32
    %sign3A = arith.constant 0 : i32
    %sign3A_11 = arith.cmpi sgt, %add3A, %sign3A : i32
    %sign3A_12 = arith.extui %sign3A_11 : i1 to i32
    %sign3A_13 = arith.constant 0 : i32
    %sign3A_14 = arith.cmpi slt, %add3A, %sign3A_13 : i32
    %sign3A_15 = arith.extui %sign3A_14 : i1 to i32
    %sign3A_16 = arith.subi %sign3A_12, %sign3A_15 : i32
    %sign3A_17 = arith.constant 0 : i32
    %sign3A_18 = arith.cmpi sgt, %jit3A_10, %sign3A_17 : i32
    %sign3A_19 = arith.extui %sign3A_18 : i1 to i32
    %sign3A_20 = arith.constant 0 : i32
    %sign3A_21 = arith.cmpi slt, %jit3A_10, %sign3A_20 : i32
    %sign3A_22 = arith.extui %sign3A_21 : i1 to i32
    %sign3A_23 = arith.subi %sign3A_19, %sign3A_22 : i32
    %ne3A_24 = arith.cmpi ne, %sign3A_16, %sign3A_23 : i32
    %rem3A_25 = arith.remsi %add3A, %jit3A_10 : i32
    %ne3A_26 = arith.constant 0 : i32
    %ne3A_27 = arith.cmpi ne, %rem3A_25, %ne3A_26 : i32
    %and3A_28 = arith.andi %ne3A_24, %ne3A_27 : i1
    %sub3A = arith.constant 1 : i32
    %sub3A_29 = arith.subi %div3A, %sub3A : i32
    %select_n3A_30 = arith.select %and3A_28, %sub3A_29, %div3A : i32
    %jit3A_31 = arith.constant 4 : i32
    %div3A_32 = arith.divsi %select_n3A_9, %jit3A_31 : i32
    %sign3A_33 = arith.constant 0 : i32
    %sign3A_34 = arith.cmpi sgt, %select_n3A_9, %sign3A_33 : i32
    %sign3A_35 = arith.extui %sign3A_34 : i1 to i32
    %sign3A_36 = arith.constant 0 : i32
    %sign3A_37 = arith.cmpi slt, %select_n3A_9, %sign3A_36 : i32
    %sign3A_38 = arith.extui %sign3A_37 : i1 to i32
    %sign3A_39 = arith.subi %sign3A_35, %sign3A_38 : i32
    %sign3A_40 = arith.constant 0 : i32
    %sign3A_41 = arith.cmpi sgt, %jit3A_31, %sign3A_40 : i32
    %sign3A_42 = arith.extui %sign3A_41 : i1 to i32
    %sign3A_43 = arith.constant 0 : i32
    %sign3A_44 = arith.cmpi slt, %jit3A_31, %sign3A_43 : i32
    %sign3A_45 = arith.extui %sign3A_44 : i1 to i32
    %sign3A_46 = arith.subi %sign3A_42, %sign3A_45 : i32
    %ne3A_47 = arith.cmpi ne, %sign3A_39, %sign3A_46 : i32
    %rem3A_48 = arith.remsi %select_n3A_9, %jit3A_31 : i32
    %ne3A_49 = arith.constant 0 : i32
    %ne3A_50 = arith.cmpi ne, %rem3A_48, %ne3A_49 : i32
    %and3A_51 = arith.andi %ne3A_47, %ne3A_50 : i1
    %sub3A_52 = arith.constant 1 : i32
    %sub3A_53 = arith.subi %div3A_32, %sub3A_52 : i32
    %select_n3A_54 = arith.select %and3A_51, %sub3A_53, %div3A_32 : i32
    %jit3A_55 = arith.constant 4 : i32
    %eq3A_56 = arith.constant 0 : i32
    %eq3A_57 = arith.cmpi eq, %jit3A_55, %eq3A_56 : i32
    %jit3A_58 = arith.constant 1 : i32
    %select_n3A_59 = arith.select %eq3A_57, %jit3A_58, %jit3A_55 : i32
    %rem3A_60 = arith.remsi %select_n3A_9, %select_n3A_59 : i32
    %ne3A_61 = arith.constant 0 : i32
    %ne3A_62 = arith.cmpi ne, %rem3A_60, %ne3A_61 : i32
    %lt3A_63 = arith.constant 0 : i32
    %lt3A_64 = arith.cmpi slt, %rem3A_60, %lt3A_63 : i32
    %lt3A_65 = arith.constant 0 : i32
    %lt3A_66 = arith.cmpi slt, %select_n3A_59, %lt3A_65 : i32
    %ne3A_67 = arith.xori %lt3A_64, %lt3A_66 : i1
    %and3A_68 = arith.andi %ne3A_67, %ne3A_62 : i1
    %add3A_69 = arith.addi %rem3A_60, %select_n3A_59 : i32
    %select_n3A_70 = arith.select %and3A_68, %add3A_69, %rem3A_60 : i32
    %mul3A_71 = arith.constant 2 : i32
    %mul3A_72 = arith.muli %select_n3A_70, %mul3A_71 : i32
    %mul3A_73 = arith.constant 625 : i32
    %mul3A_74 = arith.muli %select_n3A_30, %mul3A_73 : i32
    %add3A_75 = arith.constant 0 : i32
    %add3A_76 = arith.addi %mul3A_74, %add3A_75 : i32
    %dma_start3A = arith.constant 0 : i32
    %dma_start3A_77 = arith.constant 0 : i32
    %dma_start3A_78 = arith.constant 0 : i32
    %dma_start3A_79 = arith.constant 0 : i32
    %dma_start3A_80 = tpu.memref_slice %arg6[%dma_start3A, %dma_start3A_77, %dma_start3A_78, %dma_start3A_79] : memref<2x125x2x128xf32, #tpu.memory_space<vmem>> -> memref<1x125x2x128xf32, #tpu.memory_space<vmem>>
    %dma_start3A_81 = tpu.memref_squeeze %dma_start3A_80 : memref<1x125x2x128xf32, #tpu.memory_space<vmem>> -> memref<125x2x128xf32, #tpu.memory_space<vmem>>
    %dma_start3A_82 = arith.constant 0 : i32
    %dma_start3A_83 = tpu.memref_slice %arg2[%select_n3A_54, %add3A_76, %mul3A_72, %dma_start3A_82] : memref<2x2500x8x128xf32, #tpu.memory_space<hbm>> -> memref<1x125x2x128xf32, #tpu.memory_space<hbm>>
    %dma_start3A_84 = tpu.memref_squeeze %dma_start3A_83 : memref<1x125x2x128xf32, #tpu.memory_space<hbm>> -> memref<125x2x128xf32, #tpu.memory_space<hbm>>
    %dma_start3A_85 = arith.constant 0 : i32
    %dma_start3A_86 = arith.constant 0 : i32
    %dma_start3A_87 = arith.constant 0 : i32
    %dma_start3A_88 = tpu.memref_slice %arg6[%dma_start3A, %dma_start3A_85, %dma_start3A_86, %dma_start3A_87] : memref<2x125x2x128xf32, #tpu.memory_space<vmem>> -> memref<1x125x2x128xf32, #tpu.memory_space<vmem>>
    %dma_start3A_89 = tpu.memref_squeeze %dma_start3A_88 : memref<1x125x2x128xf32, #tpu.memory_space<vmem>> -> memref<125x2x128xf32, #tpu.memory_space<vmem>>
    %dma_start3A_90 = arith.constant 0 : i32
    %dma_start3A_91 = tpu.memref_slice %arg2[%select_n3A_54, %add3A_76, %mul3A_72, %dma_start3A_90] : memref<2x2500x8x128xf32, #tpu.memory_space<hbm>> -> memref<1x125x2x128xf32, #tpu.memory_space<hbm>>
    %dma_start3A_92 = tpu.memref_squeeze %dma_start3A_91 : memref<1x125x2x128xf32, #tpu.memory_space<hbm>> -> memref<125x2x128xf32, #tpu.memory_space<hbm>>
    tpu.enqueue_dma source(%dma_start3A_92 : memref<125x2x128xf32, #tpu.memory_space<hbm>>) target(%dma_start3A_89 : memref<125x2x128xf32, #tpu.memory_space<vmem>>) target_semaphore(%arg8 : memref<!tpu.dma_semaphore, #tpu.memory_space<semaphore_mem>>)
    %dma_start3A_93 = arith.constant 0 : i32
    %dma_start3A_94 = arith.constant 0 : i32
    %dma_start3A_95 = arith.constant 0 : i32
    %dma_start3A_96 = arith.constant 0 : i32
    %dma_start3A_97 = tpu.memref_slice %arg7[%dma_start3A_93, %dma_start3A_94, %dma_start3A_95, %dma_start3A_96] : memref<2x125x1x128xi32, #tpu.memory_space<vmem>> -> memref<1x125x1x128xi32, #tpu.memory_space<vmem>>
    %dma_start3A_98 = tpu.memref_squeeze %dma_start3A_97 : memref<1x125x1x128xi32, #tpu.memory_space<vmem>> -> memref<125x1x128xi32, #tpu.memory_space<vmem>>
    %dma_start3A_99 = arith.constant 1 : i32
    %dma_start3A_100 = arith.constant 0 : i32
    %dma_start3A_101 = tpu.memref_slice %arg3[%add3A_76, %dma_start3A_99, %dma_start3A_100] : memref<2500x2x128xi32, #tpu.memory_space<hbm>> -> memref<125x1x128xi32, #tpu.memory_space<hbm>>
    %dma_start3A_102 = arith.constant 0 : i32
    %dma_start3A_103 = arith.constant 0 : i32
    %dma_start3A_104 = arith.constant 0 : i32
    %dma_start3A_105 = tpu.memref_slice %arg7[%dma_start3A_93, %dma_start3A_102, %dma_start3A_103, %dma_start3A_104] : memref<2x125x1x128xi32, #tpu.memory_space<vmem>> -> memref<1x125x1x128xi32, #tpu.memory_space<vmem>>
    %dma_start3A_106 = tpu.memref_squeeze %dma_start3A_105 : memref<1x125x1x128xi32, #tpu.memory_space<vmem>> -> memref<125x1x128xi32, #tpu.memory_space<vmem>>
    %dma_start3A_107 = arith.constant 1 : i32
    %dma_start3A_108 = arith.constant 0 : i32
    %dma_start3A_109 = tpu.memref_slice %arg3[%add3A_76, %dma_start3A_107, %dma_start3A_108] : memref<2500x2x128xi32, #tpu.memory_space<hbm>> -> memref<125x1x128xi32, #tpu.memory_space<hbm>>
    tpu.enqueue_dma source(%dma_start3A_109 : memref<125x1x128xi32, #tpu.memory_space<hbm>>) target(%dma_start3A_106 : memref<125x1x128xi32, #tpu.memory_space<vmem>>) target_semaphore(%arg10 : memref<!tpu.dma_semaphore, #tpu.memory_space<semaphore_mem>>)
    %broadcast_in_dim3A = arith.constant 0.000000e+00 : f32
    %broadcast_in_dim3A_110 = vector.broadcast %broadcast_in_dim3A : f32 to vector<16xf32>
    %parallel_loop3A = arith.constant 0 : i32
    %parallel_loop3A_111 = arith.constant 625 : i32
    %parallel_loop3A_112 = arith.constant 1 : i32
    scf.for %parallel_loop3A_451 = %parallel_loop3A to %parallel_loop3A_111 step %parallel_loop3A_112  : i32 {
      %parallel_loop3A_452 = arith.constant 16 : i32
      %parallel_loop3A_453 = arith.muli %parallel_loop3A_451, %parallel_loop3A_452 : i32
      %parallel_loop3A_454 = arith.constant 0 : i32
      %parallel_loop3A_455 = arith.index_cast %parallel_loop3A_454 : i32 to index
      %parallel_loop3A_456 = arith.index_cast %parallel_loop3A_453 : i32 to index
      %parallel_loop3A_457 = tpu.vector_load %arg5[%parallel_loop3A_455, %parallel_loop3A_456] {strides = array<i32>} : memref<2x10000xf32, #tpu.memory_space<vmem>>, vector<16xf32>,
      tpu.vector_store %arg5[%parallel_loop3A_455, %parallel_loop3A_456], %broadcast_in_dim3A_110 {strides = array<i32>} : memref<2x10000xf32, #tpu.memory_space<vmem>>, vector<16xf32>,
      %parallel_loop3A_458 = arith.constant 16 : i32
      %parallel_loop3A_459 = arith.muli %parallel_loop3A_451, %parallel_loop3A_458 : i32
      %parallel_loop3A_460 = arith.constant 1 : i32
      %parallel_loop3A_461 = arith.index_cast %parallel_loop3A_460 : i32 to index
      %parallel_loop3A_462 = arith.index_cast %parallel_loop3A_459 : i32 to index
      %parallel_loop3A_463 = tpu.vector_load %arg5[%parallel_loop3A_461, %parallel_loop3A_462] {strides = array<i32>} : memref<2x10000xf32, #tpu.memory_space<vmem>>, vector<16xf32>,
      tpu.vector_store %arg5[%parallel_loop3A_461, %parallel_loop3A_462], %broadcast_in_dim3A_110 {strides = array<i32>} : memref<2x10000xf32, #tpu.memory_space<vmem>>, vector<16xf32>,
    } {sc.loop_unroll_factor = 4 : i64, sc.parallel_access}
    %dma_wait3A = arith.constant 0 : i32
    %dma_wait3A_113 = arith.constant 0 : i32
    %dma_wait3A_114 = arith.constant 0 : i32
    %dma_wait3A_115 = arith.constant 0 : i32
    %dma_wait3A_116 = tpu.memref_slice %arg6[%dma_wait3A, %dma_wait3A_113, %dma_wait3A_114, %dma_wait3A_115] : memref<2x125x2x128xf32, #tpu.memory_space<vmem>> -> memref<1x125x2x128xf32, #tpu.memory_space<vmem>>
    %dma_wait3A_117 = tpu.memref_squeeze %dma_wait3A_116 : memref<1x125x2x128xf32, #tpu.memory_space<vmem>> -> memref<125x2x128xf32, #tpu.memory_space<vmem>>
    %dma_wait3A_118 = arith.constant 0 : i32
    %dma_wait3A_119 = tpu.memref_slice %arg2[%select_n3A_54, %add3A_76, %mul3A_72, %dma_wait3A_118] : memref<2x2500x8x128xf32, #tpu.memory_space<hbm>> -> memref<1x125x2x128xf32, #tpu.memory_space<hbm>>
    %dma_wait3A_120 = tpu.memref_squeeze %dma_wait3A_119 : memref<1x125x2x128xf32, #tpu.memory_space<hbm>> -> memref<125x2x128xf32, #tpu.memory_space<hbm>>
    %dma_wait3A_121 = arith.constant 0 : i32
    %dma_wait3A_122 = arith.constant 0 : i32
    %dma_wait3A_123 = arith.constant 0 : i32
    %dma_wait3A_124 = tpu.memref_slice %arg6[%dma_wait3A, %dma_wait3A_121, %dma_wait3A_122, %dma_wait3A_123] : memref<2x125x2x128xf32, #tpu.memory_space<vmem>> -> memref<1x125x2x128xf32, #tpu.memory_space<vmem>>
    %dma_wait3A_125 = tpu.memref_squeeze %dma_wait3A_124 : memref<1x125x2x128xf32, #tpu.memory_space<vmem>> -> memref<125x2x128xf32, #tpu.memory_space<vmem>>
    %dma_wait3A_126 = arith.constant 0 : i32
    %dma_wait3A_127 = tpu.memref_slice %arg2[%select_n3A_54, %add3A_76, %mul3A_72, %dma_wait3A_126] : memref<2x2500x8x128xf32, #tpu.memory_space<hbm>> -> memref<1x125x2x128xf32, #tpu.memory_space<hbm>>
    %dma_wait3A_128 = tpu.memref_squeeze %dma_wait3A_127 : memref<1x125x2x128xf32, #tpu.memory_space<hbm>> -> memref<125x2x128xf32, #tpu.memory_space<hbm>>
    tpu.wait_dma2 semaphore(%arg8 : memref<!tpu.dma_semaphore, #tpu.memory_space<semaphore_mem>>) src(%dma_wait3A_128 : memref<125x2x128xf32, #tpu.memory_space<hbm>>) dst(%dma_wait3A_125 : memref<125x2x128xf32, #tpu.memory_space<vmem>>)
    %dma_wait3A_129 = arith.constant 0 : i32
    %dma_wait3A_130 = arith.constant 0 : i32
    %dma_wait3A_131 = arith.constant 0 : i32
    %dma_wait3A_132 = arith.constant 0 : i32
    %dma_wait3A_133 = tpu.memref_slice %arg7[%dma_wait3A_129, %dma_wait3A_130, %dma_wait3A_131, %dma_wait3A_132] : memref<2x125x1x128xi32, #tpu.memory_space<vmem>> -> memref<1x125x1x128xi32, #tpu.memory_space<vmem>>
    %dma_wait3A_134 = tpu.memref_squeeze %dma_wait3A_133 : memref<1x125x1x128xi32, #tpu.memory_space<vmem>> -> memref<125x1x128xi32, #tpu.memory_space<vmem>>
    %dma_wait3A_135 = arith.constant 1 : i32
    %dma_wait3A_136 = arith.constant 0 : i32
    %dma_wait3A_137 = tpu.memref_slice %arg3[%add3A_76, %dma_wait3A_135, %dma_wait3A_136] : memref<2500x2x128xi32, #tpu.memory_space<hbm>> -> memref<125x1x128xi32, #tpu.memory_space<hbm>>
    %dma_wait3A_138 = arith.constant 0 : i32
    %dma_wait3A_139 = arith.constant 0 : i32
    %dma_wait3A_140 = arith.constant 0 : i32
    %dma_wait3A_141 = tpu.memref_slice %arg7[%dma_wait3A_129, %dma_wait3A_138, %dma_wait3A_139, %dma_wait3A_140] : memref<2x125x1x128xi32, #tpu.memory_space<vmem>> -> memref<1x125x1x128xi32, #tpu.memory_space<vmem>>
    %dma_wait3A_142 = tpu.memref_squeeze %dma_wait3A_141 : memref<1x125x1x128xi32, #tpu.memory_space<vmem>> -> memref<125x1x128xi32, #tpu.memory_space<vmem>>
    %dma_wait3A_143 = arith.constant 1 : i32
    %dma_wait3A_144 = arith.constant 0 : i32
    %dma_wait3A_145 = tpu.memref_slice %arg3[%add3A_76, %dma_wait3A_143, %dma_wait3A_144] : memref<2500x2x128xi32, #tpu.memory_space<hbm>> -> memref<125x1x128xi32, #tpu.memory_space<hbm>>
    tpu.wait_dma2 semaphore(%arg10 : memref<!tpu.dma_semaphore, #tpu.memory_space<semaphore_mem>>) src(%dma_wait3A_145 : memref<125x1x128xi32, #tpu.memory_space<hbm>>) dst(%dma_wait3A_142 : memref<125x1x128xi32, #tpu.memory_space<vmem>>)
    %mul3A_146 = arith.constant 625 : i32
    %mul3A_147 = arith.muli %select_n3A_30, %mul3A_146 : i32
    %add3A_148 = arith.constant 125 : i32
    %add3A_149 = arith.addi %mul3A_147, %add3A_148 : i32
    %dma_start3A_150 = arith.constant 1 : i32
    %dma_start3A_151 = arith.constant 0 : i32
    %dma_start3A_152 = arith.constant 0 : i32
    %dma_start3A_153 = arith.constant 0 : i32
    %dma_start3A_154 = tpu.memref_slice %arg6[%dma_start3A_150, %dma_start3A_151, %dma_start3A_152, %dma_start3A_153] : memref<2x125x2x128xf32, #tpu.memory_space<vmem>> -> memref<1x125x2x128xf32, #tpu.memory_space<vmem>>
    %dma_start3A_155 = tpu.memref_squeeze %dma_start3A_154 : memref<1x125x2x128xf32, #tpu.memory_space<vmem>> -> memref<125x2x128xf32, #tpu.memory_space<vmem>>
    %dma_start3A_156 = arith.constant 0 : i32
    %dma_start3A_157 = tpu.memref_slice %arg2[%select_n3A_54, %add3A_149, %mul3A_72, %dma_start3A_156] : memref<2x2500x8x128xf32, #tpu.memory_space<hbm>> -> memref<1x125x2x128xf32, #tpu.memory_space<hbm>>
    %dma_start3A_158 = tpu.memref_squeeze %dma_start3A_157 : memref<1x125x2x128xf32, #tpu.memory_space<hbm>> -> memref<125x2x128xf32, #tpu.memory_space<hbm>>
    %dma_start3A_159 = arith.constant 0 : i32
    %dma_start3A_160 = arith.constant 0 : i32
    %dma_start3A_161 = arith.constant 0 : i32
    %dma_start3A_162 = tpu.memref_slice %arg6[%dma_start3A_150, %dma_start3A_159, %dma_start3A_160, %dma_start3A_161] : memref<2x125x2x128xf32, #tpu.memory_space<vmem>> -> memref<1x125x2x128xf32, #tpu.memory_space<vmem>>
    %dma_start3A_163 = tpu.memref_squeeze %dma_start3A_162 : memref<1x125x2x128xf32, #tpu.memory_space<vmem>> -> memref<125x2x128xf32, #tpu.memory_space<vmem>>
    %dma_start3A_164 = arith.constant 0 : i32
    %dma_start3A_165 = tpu.memref_slice %arg2[%select_n3A_54, %add3A_149, %mul3A_72, %dma_start3A_164] : memref<2x2500x8x128xf32, #tpu.memory_space<hbm>> -> memref<1x125x2x128xf32, #tpu.memory_space<hbm>>
    %dma_start3A_166 = tpu.memref_squeeze %dma_start3A_165 : memref<1x125x2x128xf32, #tpu.memory_space<hbm>> -> memref<125x2x128xf32, #tpu.memory_space<hbm>>
    tpu.enqueue_dma source(%dma_start3A_166 : memref<125x2x128xf32, #tpu.memory_space<hbm>>) target(%dma_start3A_163 : memref<125x2x128xf32, #tpu.memory_space<vmem>>) target_semaphore(%arg9 : memref<!tpu.dma_semaphore, #tpu.memory_space<semaphore_mem>>)
    %dma_start3A_167 = arith.constant 1 : i32
    %dma_start3A_168 = arith.constant 0 : i32
    %dma_start3A_169 = arith.constant 0 : i32
    %dma_start3A_170 = arith.constant 0 : i32
    %dma_start3A_171 = tpu.memref_slice %arg7[%dma_start3A_167, %dma_start3A_168, %dma_start3A_169, %dma_start3A_170] : memref<2x125x1x128xi32, #tpu.memory_space<vmem>> -> memref<1x125x1x128xi32, #tpu.memory_space<vmem>>
    %dma_start3A_172 = tpu.memref_squeeze %dma_start3A_171 : memref<1x125x1x128xi32, #tpu.memory_space<vmem>> -> memref<125x1x128xi32, #tpu.memory_space<vmem>>
    %dma_start3A_173 = arith.constant 1 : i32
    %dma_start3A_174 = arith.constant 0 : i32
    %dma_start3A_175 = tpu.memref_slice %arg3[%add3A_149, %dma_start3A_173, %dma_start3A_174] : memref<2500x2x128xi32, #tpu.memory_space<hbm>> -> memref<125x1x128xi32, #tpu.memory_space<hbm>>
    %dma_start3A_176 = arith.constant 0 : i32
    %dma_start3A_177 = arith.constant 0 : i32
    %dma_start3A_178 = arith.constant 0 : i32
    %dma_start3A_179 = tpu.memref_slice %arg7[%dma_start3A_167, %dma_start3A_176, %dma_start3A_177, %dma_start3A_178] : memref<2x125x1x128xi32, #tpu.memory_space<vmem>> -> memref<1x125x1x128xi32, #tpu.memory_space<vmem>>
    %dma_start3A_180 = tpu.memref_squeeze %dma_start3A_179 : memref<1x125x1x128xi32, #tpu.memory_space<vmem>> -> memref<125x1x128xi32, #tpu.memory_space<vmem>>
    %dma_start3A_181 = arith.constant 1 : i32
    %dma_start3A_182 = arith.constant 0 : i32
    %dma_start3A_183 = tpu.memref_slice %arg3[%add3A_149, %dma_start3A_181, %dma_start3A_182] : memref<2500x2x128xi32, #tpu.memory_space<hbm>> -> memref<125x1x128xi32, #tpu.memory_space<hbm>>
    tpu.enqueue_dma source(%dma_start3A_183 : memref<125x1x128xi32, #tpu.memory_space<hbm>>) target(%dma_start3A_180 : memref<125x1x128xi32, #tpu.memory_space<vmem>>) target_semaphore(%arg11 : memref<!tpu.dma_semaphore, #tpu.memory_space<semaphore_mem>>)
    %parallel_loop3A_184 = arith.constant 0 : i32
    %parallel_loop3A_185 = arith.constant 1000 : i32
    %parallel_loop3A_186 = arith.constant 1 : i32
    scf.for %parallel_loop3A_451 = %parallel_loop3A_184 to %parallel_loop3A_185 step %parallel_loop3A_186  : i32 {
      %parallel_loop3A_452 = arith.constant 8 : i32
      %parallel_loop3A_453 = arith.divsi %parallel_loop3A_451, %parallel_loop3A_452 : i32
      %parallel_loop3A_454 = arith.constant 0 : i32
      %parallel_loop3A_455 = arith.cmpi sgt, %parallel_loop3A_451, %parallel_loop3A_454 : i32
      %parallel_loop3A_456 = arith.extui %parallel_loop3A_455 : i1 to i32
      %parallel_loop3A_457 = arith.constant 0 : i32
      %parallel_loop3A_458 = arith.cmpi slt, %parallel_loop3A_451, %parallel_loop3A_457 : i32
      %parallel_loop3A_459 = arith.extui %parallel_loop3A_458 : i1 to i32
      %parallel_loop3A_460 = arith.subi %parallel_loop3A_456, %parallel_loop3A_459 : i32
      %parallel_loop3A_461 = arith.constant 0 : i32
      %parallel_loop3A_462 = arith.cmpi sgt, %parallel_loop3A_452, %parallel_loop3A_461 : i32
      %parallel_loop3A_463 = arith.extui %parallel_loop3A_462 : i1 to i32
      %parallel_loop3A_464 = arith.constant 0 : i32
      %parallel_loop3A_465 = arith.cmpi slt, %parallel_loop3A_452, %parallel_loop3A_464 : i32
      %parallel_loop3A_466 = arith.extui %parallel_loop3A_465 : i1 to i32
      %parallel_loop3A_467 = arith.subi %parallel_loop3A_463, %parallel_loop3A_466 : i32
      %parallel_loop3A_468 = arith.cmpi ne, %parallel_loop3A_460, %parallel_loop3A_467 : i32
      %parallel_loop3A_469 = arith.remsi %parallel_loop3A_451, %parallel_loop3A_452 : i32
      %parallel_loop3A_470 = arith.constant 0 : i32
      %parallel_loop3A_471 = arith.cmpi ne, %parallel_loop3A_469, %parallel_loop3A_470 : i32
      %parallel_loop3A_472 = arith.andi %parallel_loop3A_468, %parallel_loop3A_471 : i1
      %parallel_loop3A_473 = arith.constant 1 : i32
      %parallel_loop3A_474 = arith.subi %parallel_loop3A_453, %parallel_loop3A_473 : i32
      %parallel_loop3A_475 = arith.select %parallel_loop3A_472, %parallel_loop3A_474, %parallel_loop3A_453 : i32
      %parallel_loop3A_476 = arith.constant 8 : i32
      %parallel_loop3A_477 = arith.constant 0 : i32
      %parallel_loop3A_478 = arith.cmpi eq, %parallel_loop3A_476, %parallel_loop3A_477 : i32
      %parallel_loop3A_479 = arith.constant 1 : i32
      %parallel_loop3A_480 = arith.select %parallel_loop3A_478, %parallel_loop3A_479, %parallel_loop3A_476 : i32
      %parallel_loop3A_481 = arith.remsi %parallel_loop3A_451, %parallel_loop3A_480 : i32
      %parallel_loop3A_482 = arith.constant 0 : i32
      %parallel_loop3A_483 = arith.cmpi ne, %parallel_loop3A_481, %parallel_loop3A_482 : i32
      %parallel_loop3A_484 = arith.constant 0 : i32
      %parallel_loop3A_485 = arith.cmpi slt, %parallel_loop3A_481, %parallel_loop3A_484 : i32
      %parallel_loop3A_486 = arith.constant 0 : i32
      %parallel_loop3A_487 = arith.cmpi slt, %parallel_loop3A_480, %parallel_loop3A_486 : i32
      %parallel_loop3A_488 = arith.xori %parallel_loop3A_485, %parallel_loop3A_487 : i1
      %parallel_loop3A_489 = arith.andi %parallel_loop3A_488, %parallel_loop3A_483 : i1
      %parallel_loop3A_490 = arith.addi %parallel_loop3A_481, %parallel_loop3A_480 : i32
      %parallel_loop3A_491 = arith.select %parallel_loop3A_489, %parallel_loop3A_490, %parallel_loop3A_481 : i32
      %parallel_loop3A_492 = arith.constant 16 : i32
      %parallel_loop3A_493 = arith.muli %parallel_loop3A_491, %parallel_loop3A_492 : i32
      %parallel_loop3A_494 = arith.constant 0 : i32
      %parallel_loop3A_495 = arith.constant 0 : i32
      %parallel_loop3A_496 = arith.index_cast %parallel_loop3A_494 : i32 to index
      %parallel_loop3A_497 = arith.index_cast %parallel_loop3A_475 : i32 to index
      %parallel_loop3A_498 = arith.index_cast %parallel_loop3A_495 : i32 to index
      %parallel_loop3A_499 = arith.index_cast %parallel_loop3A_493 : i32 to index
      %parallel_loop3A_500 = tpu.vector_load %arg7[%parallel_loop3A_496, %parallel_loop3A_497, %parallel_loop3A_498, %parallel_loop3A_499] {strides = array<i32>} : memref<2x125x1x128xi32, #tpu.memory_space<vmem>>, vector<16xi32>,
      %parallel_loop3A_501 = arith.constant 16 : i32
      %parallel_loop3A_502 = arith.muli %parallel_loop3A_491, %parallel_loop3A_501 : i32
      %parallel_loop3A_503 = arith.constant 0 : i32
      %parallel_loop3A_504 = arith.constant 0 : i32
      %parallel_loop3A_505 = arith.index_cast %parallel_loop3A_503 : i32 to index
      %parallel_loop3A_506 = arith.index_cast %parallel_loop3A_475 : i32 to index
      %parallel_loop3A_507 = arith.index_cast %parallel_loop3A_504 : i32 to index
      %parallel_loop3A_508 = arith.index_cast %parallel_loop3A_502 : i32 to index
      %parallel_loop3A_509 = tpu.vector_load %arg6[%parallel_loop3A_505, %parallel_loop3A_506, %parallel_loop3A_507, %parallel_loop3A_508] {strides = array<i32>} : memref<2x125x2x128xf32, #tpu.memory_space<vmem>>, vector<16xf32>,
      %parallel_loop3A_510 = arith.constant 0 : i32
      %parallel_loop3A_511 = arith.constant 0 : i32
      %parallel_loop3A_512 = tpu.memref_slice %arg5[%parallel_loop3A_510, %parallel_loop3A_511] : memref<2x10000xf32, #tpu.memory_space<vmem>> -> memref<1x10000xf32, #tpu.memory_space<vmem>>
      %parallel_loop3A_513 = tpu.memref_squeeze %parallel_loop3A_512 : memref<1x10000xf32, #tpu.memory_space<vmem>> -> memref<10000xf32, #tpu.memory_space<vmem>>
      tpu.vector_store_idx %parallel_loop3A_513[%parallel_loop3A_500], %parallel_loop3A_509 {add = true} : memref<10000xf32, #tpu.memory_space<vmem>>[vector<16xi32>], vector<16xf32>,
      %parallel_loop3A_514 = arith.constant 16 : i32
      %parallel_loop3A_515 = arith.muli %parallel_loop3A_491, %parallel_loop3A_514 : i32
      %parallel_loop3A_516 = arith.constant 0 : i32
      %parallel_loop3A_517 = arith.constant 1 : i32
      %parallel_loop3A_518 = arith.index_cast %parallel_loop3A_516 : i32 to index
      %parallel_loop3A_519 = arith.index_cast %parallel_loop3A_475 : i32 to index
      %parallel_loop3A_520 = arith.index_cast %parallel_loop3A_517 : i32 to index
      %parallel_loop3A_521 = arith.index_cast %parallel_loop3A_515 : i32 to index
      %parallel_loop3A_522 = tpu.vector_load %arg6[%parallel_loop3A_518, %parallel_loop3A_519, %parallel_loop3A_520, %parallel_loop3A_521] {strides = array<i32>} : memref<2x125x2x128xf32, #tpu.memory_space<vmem>>, vector<16xf32>,
      %parallel_loop3A_523 = arith.constant 1 : i32
      %parallel_loop3A_524 = arith.constant 0 : i32
      %parallel_loop3A_525 = tpu.memref_slice %arg5[%parallel_loop3A_523, %parallel_loop3A_524] : memref<2x10000xf32, #tpu.memory_space<vmem>> -> memref<1x10000xf32, #tpu.memory_space<vmem>>
      %parallel_loop3A_526 = tpu.memref_squeeze %parallel_loop3A_525 : memref<1x10000xf32, #tpu.memory_space<vmem>> -> memref<10000xf32, #tpu.memory_space<vmem>>
      tpu.vector_store_idx %parallel_loop3A_526[%parallel_loop3A_500], %parallel_loop3A_522 {add = true} : memref<10000xf32, #tpu.memory_space<vmem>>[vector<16xi32>], vector<16xf32>,
    } {sc.loop_unroll_factor = 8 : i64, sc.parallel_access}
    %dma_wait3A_187 = arith.constant 1 : i32
    %dma_wait3A_188 = arith.constant 0 : i32
    %dma_wait3A_189 = arith.constant 0 : i32
    %dma_wait3A_190 = arith.constant 0 : i32
    %dma_wait3A_191 = tpu.memref_slice %arg6[%dma_wait3A_187, %dma_wait3A_188, %dma_wait3A_189, %dma_wait3A_190] : memref<2x125x2x128xf32, #tpu.memory_space<vmem>> -> memref<1x125x2x128xf32, #tpu.memory_space<vmem>>
    %dma_wait3A_192 = tpu.memref_squeeze %dma_wait3A_191 : memref<1x125x2x128xf32, #tpu.memory_space<vmem>> -> memref<125x2x128xf32, #tpu.memory_space<vmem>>
    %dma_wait3A_193 = arith.constant 0 : i32
    %dma_wait3A_194 = tpu.memref_slice %arg2[%select_n3A_54, %add3A_149, %mul3A_72, %dma_wait3A_193] : memref<2x2500x8x128xf32, #tpu.memory_space<hbm>> -> memref<1x125x2x128xf32, #tpu.memory_space<hbm>>
    %dma_wait3A_195 = tpu.memref_squeeze %dma_wait3A_194 : memref<1x125x2x128xf32, #tpu.memory_space<hbm>> -> memref<125x2x128xf32, #tpu.memory_space<hbm>>
    %dma_wait3A_196 = arith.constant 0 : i32
    %dma_wait3A_197 = arith.constant 0 : i32
    %dma_wait3A_198 = arith.constant 0 : i32
    %dma_wait3A_199 = tpu.memref_slice %arg6[%dma_wait3A_187, %dma_wait3A_196, %dma_wait3A_197, %dma_wait3A_198] : memref<2x125x2x128xf32, #tpu.memory_space<vmem>> -> memref<1x125x2x128xf32, #tpu.memory_space<vmem>>
    %dma_wait3A_200 = tpu.memref_squeeze %dma_wait3A_199 : memref<1x125x2x128xf32, #tpu.memory_space<vmem>> -> memref<125x2x128xf32, #tpu.memory_space<vmem>>
    %dma_wait3A_201 = arith.constant 0 : i32
    %dma_wait3A_202 = tpu.memref_slice %arg2[%select_n3A_54, %add3A_149, %mul3A_72, %dma_wait3A_201] : memref<2x2500x8x128xf32, #tpu.memory_space<hbm>> -> memref<1x125x2x128xf32, #tpu.memory_space<hbm>>
    %dma_wait3A_203 = tpu.memref_squeeze %dma_wait3A_202 : memref<1x125x2x128xf32, #tpu.memory_space<hbm>> -> memref<125x2x128xf32, #tpu.memory_space<hbm>>
    tpu.wait_dma2 semaphore(%arg9 : memref<!tpu.dma_semaphore, #tpu.memory_space<semaphore_mem>>) src(%dma_wait3A_203 : memref<125x2x128xf32, #tpu.memory_space<hbm>>) dst(%dma_wait3A_200 : memref<125x2x128xf32, #tpu.memory_space<vmem>>)
    %dma_wait3A_204 = arith.constant 1 : i32
    %dma_wait3A_205 = arith.constant 0 : i32
    %dma_wait3A_206 = arith.constant 0 : i32
    %dma_wait3A_207 = arith.constant 0 : i32
    %dma_wait3A_208 = tpu.memref_slice %arg7[%dma_wait3A_204, %dma_wait3A_205, %dma_wait3A_206, %dma_wait3A_207] : memref<2x125x1x128xi32, #tpu.memory_space<vmem>> -> memref<1x125x1x128xi32, #tpu.memory_space<vmem>>
    %dma_wait3A_209 = tpu.memref_squeeze %dma_wait3A_208 : memref<1x125x1x128xi32, #tpu.memory_space<vmem>> -> memref<125x1x128xi32, #tpu.memory_space<vmem>>
    %dma_wait3A_210 = arith.constant 1 : i32
    %dma_wait3A_211 = arith.constant 0 : i32
    %dma_wait3A_212 = tpu.memref_slice %arg3[%add3A_149, %dma_wait3A_210, %dma_wait3A_211] : memref<2500x2x128xi32, #tpu.memory_space<hbm>> -> memref<125x1x128xi32, #tpu.memory_space<hbm>>
    %dma_wait3A_213 = arith.constant 0 : i32
    %dma_wait3A_214 = arith.constant 0 : i32
    %dma_wait3A_215 = arith.constant 0 : i32
    %dma_wait3A_216 = tpu.memref_slice %arg7[%dma_wait3A_204, %dma_wait3A_213, %dma_wait3A_214, %dma_wait3A_215] : memref<2x125x1x128xi32, #tpu.memory_space<vmem>> -> memref<1x125x1x128xi32, #tpu.memory_space<vmem>>
    %dma_wait3A_217 = tpu.memref_squeeze %dma_wait3A_216 : memref<1x125x1x128xi32, #tpu.memory_space<vmem>> -> memref<125x1x128xi32, #tpu.memory_space<vmem>>
    %dma_wait3A_218 = arith.constant 1 : i32
    %dma_wait3A_219 = arith.constant 0 : i32
    %dma_wait3A_220 = tpu.memref_slice %arg3[%add3A_149, %dma_wait3A_218, %dma_wait3A_219] : memref<2500x2x128xi32, #tpu.memory_space<hbm>> -> memref<125x1x128xi32, #tpu.memory_space<hbm>>
    tpu.wait_dma2 semaphore(%arg11 : memref<!tpu.dma_semaphore, #tpu.memory_space<semaphore_mem>>) src(%dma_wait3A_220 : memref<125x1x128xi32, #tpu.memory_space<hbm>>) dst(%dma_wait3A_217 : memref<125x1x128xi32, #tpu.memory_space<vmem>>)
    %mul3A_221 = arith.constant 625 : i32
    %mul3A_222 = arith.muli %select_n3A_30, %mul3A_221 : i32
    %add3A_223 = arith.constant 250 : i32
    %add3A_224 = arith.addi %mul3A_222, %add3A_223 : i32
    %dma_start3A_225 = arith.constant 0 : i32
    %dma_start3A_226 = arith.constant 0 : i32
    %dma_start3A_227 = arith.constant 0 : i32
    %dma_start3A_228 = arith.constant 0 : i32
    %dma_start3A_229 = tpu.memref_slice %arg6[%dma_start3A_225, %dma_start3A_226, %dma_start3A_227, %dma_start3A_228] : memref<2x125x2x128xf32, #tpu.memory_space<vmem>> -> memref<1x125x2x128xf32, #tpu.memory_space<vmem>>
    %dma_start3A_230 = tpu.memref_squeeze %dma_start3A_229 : memref<1x125x2x128xf32, #tpu.memory_space<vmem>> -> memref<125x2x128xf32, #tpu.memory_space<vmem>>
    %dma_start3A_231 = arith.constant 0 : i32
    %dma_start3A_232 = tpu.memref_slice %arg2[%select_n3A_54, %add3A_224, %mul3A_72, %dma_start3A_231] : memref<2x2500x8x128xf32, #tpu.memory_space<hbm>> -> memref<1x125x2x128xf32, #tpu.memory_space<hbm>>
    %dma_start3A_233 = tpu.memref_squeeze %dma_start3A_232 : memref<1x125x2x128xf32, #tpu.memory_space<hbm>> -> memref<125x2x128xf32, #tpu.memory_space<hbm>>
    %dma_start3A_234 = arith.constant 0 : i32
    %dma_start3A_235 = arith.constant 0 : i32
    %dma_start3A_236 = arith.constant 0 : i32
    %dma_start3A_237 = tpu.memref_slice %arg6[%dma_start3A_225, %dma_start3A_234, %dma_start3A_235, %dma_start3A_236] : memref<2x125x2x128xf32, #tpu.memory_space<vmem>> -> memref<1x125x2x128xf32, #tpu.memory_space<vmem>>
    %dma_start3A_238 = tpu.memref_squeeze %dma_start3A_237 : memref<1x125x2x128xf32, #tpu.memory_space<vmem>> -> memref<125x2x128xf32, #tpu.memory_space<vmem>>
    %dma_start3A_239 = arith.constant 0 : i32
    %dma_start3A_240 = tpu.memref_slice %arg2[%select_n3A_54, %add3A_224, %mul3A_72, %dma_start3A_239] : memref<2x2500x8x128xf32, #tpu.memory_space<hbm>> -> memref<1x125x2x128xf32, #tpu.memory_space<hbm>>
    %dma_start3A_241 = tpu.memref_squeeze %dma_start3A_240 : memref<1x125x2x128xf32, #tpu.memory_space<hbm>> -> memref<125x2x128xf32, #tpu.memory_space<hbm>>
    tpu.enqueue_dma source(%dma_start3A_241 : memref<125x2x128xf32, #tpu.memory_space<hbm>>) target(%dma_start3A_238 : memref<125x2x128xf32, #tpu.memory_space<vmem>>) target_semaphore(%arg8 : memref<!tpu.dma_semaphore, #tpu.memory_space<semaphore_mem>>)
    %dma_start3A_242 = arith.constant 0 : i32
    %dma_start3A_243 = arith.constant 0 : i32
    %dma_start3A_244 = arith.constant 0 : i32
    %dma_start3A_245 = arith.constant 0 : i32
    %dma_start3A_246 = tpu.memref_slice %arg7[%dma_start3A_242, %dma_start3A_243, %dma_start3A_244, %dma_start3A_245] : memref<2x125x1x128xi32, #tpu.memory_space<vmem>> -> memref<1x125x1x128xi32, #tpu.memory_space<vmem>>
    %dma_start3A_247 = tpu.memref_squeeze %dma_start3A_246 : memref<1x125x1x128xi32, #tpu.memory_space<vmem>> -> memref<125x1x128xi32, #tpu.memory_space<vmem>>
    %dma_start3A_248 = arith.constant 1 : i32
    %dma_start3A_249 = arith.constant 0 : i32
    %dma_start3A_250 = tpu.memref_slice %arg3[%add3A_224, %dma_start3A_248, %dma_start3A_249] : memref<2500x2x128xi32, #tpu.memory_space<hbm>> -> memref<125x1x128xi32, #tpu.memory_space<hbm>>
    %dma_start3A_251 = arith.constant 0 : i32
    %dma_start3A_252 = arith.constant 0 : i32
    %dma_start3A_253 = arith.constant 0 : i32
    %dma_start3A_254 = tpu.memref_slice %arg7[%dma_start3A_242, %dma_start3A_251, %dma_start3A_252, %dma_start3A_253] : memref<2x125x1x128xi32, #tpu.memory_space<vmem>> -> memref<1x125x1x128xi32, #tpu.memory_space<vmem>>
    %dma_start3A_255 = tpu.memref_squeeze %dma_start3A_254 : memref<1x125x1x128xi32, #tpu.memory_space<vmem>> -> memref<125x1x128xi32, #tpu.memory_space<vmem>>
    %dma_start3A_256 = arith.constant 1 : i32
    %dma_start3A_257 = arith.constant 0 : i32
    %dma_start3A_258 = tpu.memref_slice %arg3[%add3A_224, %dma_start3A_256, %dma_start3A_257] : memref<2500x2x128xi32, #tpu.memory_space<hbm>> -> memref<125x1x128xi32, #tpu.memory_space<hbm>>
    tpu.enqueue_dma source(%dma_start3A_258 : memref<125x1x128xi32, #tpu.memory_space<hbm>>) target(%dma_start3A_255 : memref<125x1x128xi32, #tpu.memory_space<vmem>>) target_semaphore(%arg10 : memref<!tpu.dma_semaphore, #tpu.memory_space<semaphore_mem>>)
    %parallel_loop3A_259 = arith.constant 0 : i32
    %parallel_loop3A_260 = arith.constant 1000 : i32
    %parallel_loop3A_261 = arith.constant 1 : i32
    scf.for %parallel_loop3A_451 = %parallel_loop3A_259 to %parallel_loop3A_260 step %parallel_loop3A_261  : i32 {
      %parallel_loop3A_452 = arith.constant 8 : i32
      %parallel_loop3A_453 = arith.divsi %parallel_loop3A_451, %parallel_loop3A_452 : i32
      %parallel_loop3A_454 = arith.constant 0 : i32
      %parallel_loop3A_455 = arith.cmpi sgt, %parallel_loop3A_451, %parallel_loop3A_454 : i32
      %parallel_loop3A_456 = arith.extui %parallel_loop3A_455 : i1 to i32
      %parallel_loop3A_457 = arith.constant 0 : i32
      %parallel_loop3A_458 = arith.cmpi slt, %parallel_loop3A_451, %parallel_loop3A_457 : i32
      %parallel_loop3A_459 = arith.extui %parallel_loop3A_458 : i1 to i32
      %parallel_loop3A_460 = arith.subi %parallel_loop3A_456, %parallel_loop3A_459 : i32
      %parallel_loop3A_461 = arith.constant 0 : i32
      %parallel_loop3A_462 = arith.cmpi sgt, %parallel_loop3A_452, %parallel_loop3A_461 : i32
      %parallel_loop3A_463 = arith.extui %parallel_loop3A_462 : i1 to i32
      %parallel_loop3A_464 = arith.constant 0 : i32
      %parallel_loop3A_465 = arith.cmpi slt, %parallel_loop3A_452, %parallel_loop3A_464 : i32
      %parallel_loop3A_466 = arith.extui %parallel_loop3A_465 : i1 to i32
      %parallel_loop3A_467 = arith.subi %parallel_loop3A_463, %parallel_loop3A_466 : i32
      %parallel_loop3A_468 = arith.cmpi ne, %parallel_loop3A_460, %parallel_loop3A_467 : i32
      %parallel_loop3A_469 = arith.remsi %parallel_loop3A_451, %parallel_loop3A_452 : i32
      %parallel_loop3A_470 = arith.constant 0 : i32
      %parallel_loop3A_471 = arith.cmpi ne, %parallel_loop3A_469, %parallel_loop3A_470 : i32
      %parallel_loop3A_472 = arith.andi %parallel_loop3A_468, %parallel_loop3A_471 : i1
      %parallel_loop3A_473 = arith.constant 1 : i32
      %parallel_loop3A_474 = arith.subi %parallel_loop3A_453, %parallel_loop3A_473 : i32
      %parallel_loop3A_475 = arith.select %parallel_loop3A_472, %parallel_loop3A_474, %parallel_loop3A_453 : i32
      %parallel_loop3A_476 = arith.constant 8 : i32
      %parallel_loop3A_477 = arith.constant 0 : i32
      %parallel_loop3A_478 = arith.cmpi eq, %parallel_loop3A_476, %parallel_loop3A_477 : i32
      %parallel_loop3A_479 = arith.constant 1 : i32
      %parallel_loop3A_480 = arith.select %parallel_loop3A_478, %parallel_loop3A_479, %parallel_loop3A_476 : i32
      %parallel_loop3A_481 = arith.remsi %parallel_loop3A_451, %parallel_loop3A_480 : i32
      %parallel_loop3A_482 = arith.constant 0 : i32
      %parallel_loop3A_483 = arith.cmpi ne, %parallel_loop3A_481, %parallel_loop3A_482 : i32
      %parallel_loop3A_484 = arith.constant 0 : i32
      %parallel_loop3A_485 = arith.cmpi slt, %parallel_loop3A_481, %parallel_loop3A_484 : i32
      %parallel_loop3A_486 = arith.constant 0 : i32
      %parallel_loop3A_487 = arith.cmpi slt, %parallel_loop3A_480, %parallel_loop3A_486 : i32
      %parallel_loop3A_488 = arith.xori %parallel_loop3A_485, %parallel_loop3A_487 : i1
      %parallel_loop3A_489 = arith.andi %parallel_loop3A_488, %parallel_loop3A_483 : i1
      %parallel_loop3A_490 = arith.addi %parallel_loop3A_481, %parallel_loop3A_480 : i32
      %parallel_loop3A_491 = arith.select %parallel_loop3A_489, %parallel_loop3A_490, %parallel_loop3A_481 : i32
      %parallel_loop3A_492 = arith.constant 16 : i32
      %parallel_loop3A_493 = arith.muli %parallel_loop3A_491, %parallel_loop3A_492 : i32
      %parallel_loop3A_494 = arith.constant 1 : i32
      %parallel_loop3A_495 = arith.constant 0 : i32
      %parallel_loop3A_496 = arith.index_cast %parallel_loop3A_494 : i32 to index
      %parallel_loop3A_497 = arith.index_cast %parallel_loop3A_475 : i32 to index
      %parallel_loop3A_498 = arith.index_cast %parallel_loop3A_495 : i32 to index
      %parallel_loop3A_499 = arith.index_cast %parallel_loop3A_493 : i32 to index
      %parallel_loop3A_500 = tpu.vector_load %arg7[%parallel_loop3A_496, %parallel_loop3A_497, %parallel_loop3A_498, %parallel_loop3A_499] {strides = array<i32>} : memref<2x125x1x128xi32, #tpu.memory_space<vmem>>, vector<16xi32>,
      %parallel_loop3A_501 = arith.constant 16 : i32
      %parallel_loop3A_502 = arith.muli %parallel_loop3A_491, %parallel_loop3A_501 : i32
      %parallel_loop3A_503 = arith.constant 1 : i32
      %parallel_loop3A_504 = arith.constant 0 : i32
      %parallel_loop3A_505 = arith.index_cast %parallel_loop3A_503 : i32 to index
      %parallel_loop3A_506 = arith.index_cast %parallel_loop3A_475 : i32 to index
      %parallel_loop3A_507 = arith.index_cast %parallel_loop3A_504 : i32 to index
      %parallel_loop3A_508 = arith.index_cast %parallel_loop3A_502 : i32 to index
      %parallel_loop3A_509 = tpu.vector_load %arg6[%parallel_loop3A_505, %parallel_loop3A_506, %parallel_loop3A_507, %parallel_loop3A_508] {strides = array<i32>} : memref<2x125x2x128xf32, #tpu.memory_space<vmem>>, vector<16xf32>,
      %parallel_loop3A_510 = arith.constant 0 : i32
      %parallel_loop3A_511 = arith.constant 0 : i32
      %parallel_loop3A_512 = tpu.memref_slice %arg5[%parallel_loop3A_510, %parallel_loop3A_511] : memref<2x10000xf32, #tpu.memory_space<vmem>> -> memref<1x10000xf32, #tpu.memory_space<vmem>>
      %parallel_loop3A_513 = tpu.memref_squeeze %parallel_loop3A_512 : memref<1x10000xf32, #tpu.memory_space<vmem>> -> memref<10000xf32, #tpu.memory_space<vmem>>
      tpu.vector_store_idx %parallel_loop3A_513[%parallel_loop3A_500], %parallel_loop3A_509 {add = true} : memref<10000xf32, #tpu.memory_space<vmem>>[vector<16xi32>], vector<16xf32>,
      %parallel_loop3A_514 = arith.constant 16 : i32
      %parallel_loop3A_515 = arith.muli %parallel_loop3A_491, %parallel_loop3A_514 : i32
      %parallel_loop3A_516 = arith.constant 1 : i32
      %parallel_loop3A_517 = arith.constant 1 : i32
      %parallel_loop3A_518 = arith.index_cast %parallel_loop3A_516 : i32 to index
      %parallel_loop3A_519 = arith.index_cast %parallel_loop3A_475 : i32 to index
      %parallel_loop3A_520 = arith.index_cast %parallel_loop3A_517 : i32 to index
      %parallel_loop3A_521 = arith.index_cast %parallel_loop3A_515 : i32 to index
      %parallel_loop3A_522 = tpu.vector_load %arg6[%parallel_loop3A_518, %parallel_loop3A_519, %parallel_loop3A_520, %parallel_loop3A_521] {strides = array<i32>} : memref<2x125x2x128xf32, #tpu.memory_space<vmem>>, vector<16xf32>,
      %parallel_loop3A_523 = arith.constant 1 : i32
      %parallel_loop3A_524 = arith.constant 0 : i32
      %parallel_loop3A_525 = tpu.memref_slice %arg5[%parallel_loop3A_523, %parallel_loop3A_524] : memref<2x10000xf32, #tpu.memory_space<vmem>> -> memref<1x10000xf32, #tpu.memory_space<vmem>>
      %parallel_loop3A_526 = tpu.memref_squeeze %parallel_loop3A_525 : memref<1x10000xf32, #tpu.memory_space<vmem>> -> memref<10000xf32, #tpu.memory_space<vmem>>
      tpu.vector_store_idx %parallel_loop3A_526[%parallel_loop3A_500], %parallel_loop3A_522 {add = true} : memref<10000xf32, #tpu.memory_space<vmem>>[vector<16xi32>], vector<16xf32>,
    } {sc.loop_unroll_factor = 8 : i64, sc.parallel_access}
    %dma_wait3A_262 = arith.constant 0 : i32
    %dma_wait3A_263 = arith.constant 0 : i32
    %dma_wait3A_264 = arith.constant 0 : i32
    %dma_wait3A_265 = arith.constant 0 : i32
    %dma_wait3A_266 = tpu.memref_slice %arg6[%dma_wait3A_262, %dma_wait3A_263, %dma_wait3A_264, %dma_wait3A_265] : memref<2x125x2x128xf32, #tpu.memory_space<vmem>> -> memref<1x125x2x128xf32, #tpu.memory_space<vmem>>
    %dma_wait3A_267 = tpu.memref_squeeze %dma_wait3A_266 : memref<1x125x2x128xf32, #tpu.memory_space<vmem>> -> memref<125x2x128xf32, #tpu.memory_space<vmem>>
    %dma_wait3A_268 = arith.constant 0 : i32
    %dma_wait3A_269 = tpu.memref_slice %arg2[%select_n3A_54, %add3A_224, %mul3A_72, %dma_wait3A_268] : memref<2x2500x8x128xf32, #tpu.memory_space<hbm>> -> memref<1x125x2x128xf32, #tpu.memory_space<hbm>>
    %dma_wait3A_270 = tpu.memref_squeeze %dma_wait3A_269 : memref<1x125x2x128xf32, #tpu.memory_space<hbm>> -> memref<125x2x128xf32, #tpu.memory_space<hbm>>
    %dma_wait3A_271 = arith.constant 0 : i32
    %dma_wait3A_272 = arith.constant 0 : i32
    %dma_wait3A_273 = arith.constant 0 : i32
    %dma_wait3A_274 = tpu.memref_slice %arg6[%dma_wait3A_262, %dma_wait3A_271, %dma_wait3A_272, %dma_wait3A_273] : memref<2x125x2x128xf32, #tpu.memory_space<vmem>> -> memref<1x125x2x128xf32, #tpu.memory_space<vmem>>
    %dma_wait3A_275 = tpu.memref_squeeze %dma_wait3A_274 : memref<1x125x2x128xf32, #tpu.memory_space<vmem>> -> memref<125x2x128xf32, #tpu.memory_space<vmem>>
    %dma_wait3A_276 = arith.constant 0 : i32
    %dma_wait3A_277 = tpu.memref_slice %arg2[%select_n3A_54, %add3A_224, %mul3A_72, %dma_wait3A_276] : memref<2x2500x8x128xf32, #tpu.memory_space<hbm>> -> memref<1x125x2x128xf32, #tpu.memory_space<hbm>>
    %dma_wait3A_278 = tpu.memref_squeeze %dma_wait3A_277 : memref<1x125x2x128xf32, #tpu.memory_space<hbm>> -> memref<125x2x128xf32, #tpu.memory_space<hbm>>
    tpu.wait_dma2 semaphore(%arg8 : memref<!tpu.dma_semaphore, #tpu.memory_space<semaphore_mem>>) src(%dma_wait3A_278 : memref<125x2x128xf32, #tpu.memory_space<hbm>>) dst(%dma_wait3A_275 : memref<125x2x128xf32, #tpu.memory_space<vmem>>)
    %dma_wait3A_279 = arith.constant 0 : i32
    %dma_wait3A_280 = arith.constant 0 : i32
    %dma_wait3A_281 = arith.constant 0 : i32
    %dma_wait3A_282 = arith.constant 0 : i32
    %dma_wait3A_283 = tpu.memref_slice %arg7[%dma_wait3A_279, %dma_wait3A_280, %dma_wait3A_281, %dma_wait3A_282] : memref<2x125x1x128xi32, #tpu.memory_space<vmem>> -> memref<1x125x1x128xi32, #tpu.memory_space<vmem>>
    %dma_wait3A_284 = tpu.memref_squeeze %dma_wait3A_283 : memref<1x125x1x128xi32, #tpu.memory_space<vmem>> -> memref<125x1x128xi32, #tpu.memory_space<vmem>>
    %dma_wait3A_285 = arith.constant 1 : i32
    %dma_wait3A_286 = arith.constant 0 : i32
    %dma_wait3A_287 = tpu.memref_slice %arg3[%add3A_224, %dma_wait3A_285, %dma_wait3A_286] : memref<2500x2x128xi32, #tpu.memory_space<hbm>> -> memref<125x1x128xi32, #tpu.memory_space<hbm>>
    %dma_wait3A_288 = arith.constant 0 : i32
    %dma_wait3A_289 = arith.constant 0 : i32
    %dma_wait3A_290 = arith.constant 0 : i32
    %dma_wait3A_291 = tpu.memref_slice %arg7[%dma_wait3A_279, %dma_wait3A_288, %dma_wait3A_289, %dma_wait3A_290] : memref<2x125x1x128xi32, #tpu.memory_space<vmem>> -> memref<1x125x1x128xi32, #tpu.memory_space<vmem>>
    %dma_wait3A_292 = tpu.memref_squeeze %dma_wait3A_291 : memref<1x125x1x128xi32, #tpu.memory_space<vmem>> -> memref<125x1x128xi32, #tpu.memory_space<vmem>>
    %dma_wait3A_293 = arith.constant 1 : i32
    %dma_wait3A_294 = arith.constant 0 : i32
    %dma_wait3A_295 = tpu.memref_slice %arg3[%add3A_224, %dma_wait3A_293, %dma_wait3A_294] : memref<2500x2x128xi32, #tpu.memory_space<hbm>> -> memref<125x1x128xi32, #tpu.memory_space<hbm>>
    tpu.wait_dma2 semaphore(%arg10 : memref<!tpu.dma_semaphore, #tpu.memory_space<semaphore_mem>>) src(%dma_wait3A_295 : memref<125x1x128xi32, #tpu.memory_space<hbm>>) dst(%dma_wait3A_292 : memref<125x1x128xi32, #tpu.memory_space<vmem>>)
    %mul3A_296 = arith.constant 625 : i32
    %mul3A_297 = arith.muli %select_n3A_30, %mul3A_296 : i32
    %add3A_298 = arith.constant 375 : i32
    %add3A_299 = arith.addi %mul3A_297, %add3A_298 : i32
    %dma_start3A_300 = arith.constant 1 : i32
    %dma_start3A_301 = arith.constant 0 : i32
    %dma_start3A_302 = arith.constant 0 : i32
    %dma_start3A_303 = arith.constant 0 : i32
    %dma_start3A_304 = tpu.memref_slice %arg6[%dma_start3A_300, %dma_start3A_301, %dma_start3A_302, %dma_start3A_303] : memref<2x125x2x128xf32, #tpu.memory_space<vmem>> -> memref<1x125x2x128xf32, #tpu.memory_space<vmem>>
    %dma_start3A_305 = tpu.memref_squeeze %dma_start3A_304 : memref<1x125x2x128xf32, #tpu.memory_space<vmem>> -> memref<125x2x128xf32, #tpu.memory_space<vmem>>
    %dma_start3A_306 = arith.constant 0 : i32
    %dma_start3A_307 = tpu.memref_slice %arg2[%select_n3A_54, %add3A_299, %mul3A_72, %dma_start3A_306] : memref<2x2500x8x128xf32, #tpu.memory_space<hbm>> -> memref<1x125x2x128xf32, #tpu.memory_space<hbm>>
    %dma_start3A_308 = tpu.memref_squeeze %dma_start3A_307 : memref<1x125x2x128xf32, #tpu.memory_space<hbm>> -> memref<125x2x128xf32, #tpu.memory_space<hbm>>
    %dma_start3A_309 = arith.constant 0 : i32
    %dma_start3A_310 = arith.constant 0 : i32
    %dma_start3A_311 = arith.constant 0 : i32
    %dma_start3A_312 = tpu.memref_slice %arg6[%dma_start3A_300, %dma_start3A_309, %dma_start3A_310, %dma_start3A_311] : memref<2x125x2x128xf32, #tpu.memory_space<vmem>> -> memref<1x125x2x128xf32, #tpu.memory_space<vmem>>
    %dma_start3A_313 = tpu.memref_squeeze %dma_start3A_312 : memref<1x125x2x128xf32, #tpu.memory_space<vmem>> -> memref<125x2x128xf32, #tpu.memory_space<vmem>>
    %dma_start3A_314 = arith.constant 0 : i32
    %dma_start3A_315 = tpu.memref_slice %arg2[%select_n3A_54, %add3A_299, %mul3A_72, %dma_start3A_314] : memref<2x2500x8x128xf32, #tpu.memory_space<hbm>> -> memref<1x125x2x128xf32, #tpu.memory_space<hbm>>
    %dma_start3A_316 = tpu.memref_squeeze %dma_start3A_315 : memref<1x125x2x128xf32, #tpu.memory_space<hbm>> -> memref<125x2x128xf32, #tpu.memory_space<hbm>>
    tpu.enqueue_dma source(%dma_start3A_316 : memref<125x2x128xf32, #tpu.memory_space<hbm>>) target(%dma_start3A_313 : memref<125x2x128xf32, #tpu.memory_space<vmem>>) target_semaphore(%arg9 : memref<!tpu.dma_semaphore, #tpu.memory_space<semaphore_mem>>)
    %dma_start3A_317 = arith.constant 1 : i32
    %dma_start3A_318 = arith.constant 0 : i32
    %dma_start3A_319 = arith.constant 0 : i32
    %dma_start3A_320 = arith.constant 0 : i32
    %dma_start3A_321 = tpu.memref_slice %arg7[%dma_start3A_317, %dma_start3A_318, %dma_start3A_319, %dma_start3A_320] : memref<2x125x1x128xi32, #tpu.memory_space<vmem>> -> memref<1x125x1x128xi32, #tpu.memory_space<vmem>>
    %dma_start3A_322 = tpu.memref_squeeze %dma_start3A_321 : memref<1x125x1x128xi32, #tpu.memory_space<vmem>> -> memref<125x1x128xi32, #tpu.memory_space<vmem>>
    %dma_start3A_323 = arith.constant 1 : i32
    %dma_start3A_324 = arith.constant 0 : i32
    %dma_start3A_325 = tpu.memref_slice %arg3[%add3A_299, %dma_start3A_323, %dma_start3A_324] : memref<2500x2x128xi32, #tpu.memory_space<hbm>> -> memref<125x1x128xi32, #tpu.memory_space<hbm>>
    %dma_start3A_326 = arith.constant 0 : i32
    %dma_start3A_327 = arith.constant 0 : i32
    %dma_start3A_328 = arith.constant 0 : i32
    %dma_start3A_329 = tpu.memref_slice %arg7[%dma_start3A_317, %dma_start3A_326, %dma_start3A_327, %dma_start3A_328] : memref<2x125x1x128xi32, #tpu.memory_space<vmem>> -> memref<1x125x1x128xi32, #tpu.memory_space<vmem>>
    %dma_start3A_330 = tpu.memref_squeeze %dma_start3A_329 : memref<1x125x1x128xi32, #tpu.memory_space<vmem>> -> memref<125x1x128xi32, #tpu.memory_space<vmem>>
    %dma_start3A_331 = arith.constant 1 : i32
    %dma_start3A_332 = arith.constant 0 : i32
    %dma_start3A_333 = tpu.memref_slice %arg3[%add3A_299, %dma_start3A_331, %dma_start3A_332] : memref<2500x2x128xi32, #tpu.memory_space<hbm>> -> memref<125x1x128xi32, #tpu.memory_space<hbm>>
    tpu.enqueue_dma source(%dma_start3A_333 : memref<125x1x128xi32, #tpu.memory_space<hbm>>) target(%dma_start3A_330 : memref<125x1x128xi32, #tpu.memory_space<vmem>>) target_semaphore(%arg11 : memref<!tpu.dma_semaphore, #tpu.memory_space<semaphore_mem>>)
    %parallel_loop3A_334 = arith.constant 0 : i32
    %parallel_loop3A_335 = arith.constant 1000 : i32
    %parallel_loop3A_336 = arith.constant 1 : i32
    scf.for %parallel_loop3A_451 = %parallel_loop3A_334 to %parallel_loop3A_335 step %parallel_loop3A_336  : i32 {
      %parallel_loop3A_452 = arith.constant 8 : i32
      %parallel_loop3A_453 = arith.divsi %parallel_loop3A_451, %parallel_loop3A_452 : i32
      %parallel_loop3A_454 = arith.constant 0 : i32
      %parallel_loop3A_455 = arith.cmpi sgt, %parallel_loop3A_451, %parallel_loop3A_454 : i32
      %parallel_loop3A_456 = arith.extui %parallel_loop3A_455 : i1 to i32
      %parallel_loop3A_457 = arith.constant 0 : i32
      %parallel_loop3A_458 = arith.cmpi slt, %parallel_loop3A_451, %parallel_loop3A_457 : i32
      %parallel_loop3A_459 = arith.extui %parallel_loop3A_458 : i1 to i32
      %parallel_loop3A_460 = arith.subi %parallel_loop3A_456, %parallel_loop3A_459 : i32
      %parallel_loop3A_461 = arith.constant 0 : i32
      %parallel_loop3A_462 = arith.cmpi sgt, %parallel_loop3A_452, %parallel_loop3A_461 : i32
      %parallel_loop3A_463 = arith.extui %parallel_loop3A_462 : i1 to i32
      %parallel_loop3A_464 = arith.constant 0 : i32
      %parallel_loop3A_465 = arith.cmpi slt, %parallel_loop3A_452, %parallel_loop3A_464 : i32
      %parallel_loop3A_466 = arith.extui %parallel_loop3A_465 : i1 to i32
      %parallel_loop3A_467 = arith.subi %parallel_loop3A_463, %parallel_loop3A_466 : i32
      %parallel_loop3A_468 = arith.cmpi ne, %parallel_loop3A_460, %parallel_loop3A_467 : i32
      %parallel_loop3A_469 = arith.remsi %parallel_loop3A_451, %parallel_loop3A_452 : i32
      %parallel_loop3A_470 = arith.constant 0 : i32
      %parallel_loop3A_471 = arith.cmpi ne, %parallel_loop3A_469, %parallel_loop3A_470 : i32
      %parallel_loop3A_472 = arith.andi %parallel_loop3A_468, %parallel_loop3A_471 : i1
      %parallel_loop3A_473 = arith.constant 1 : i32
      %parallel_loop3A_474 = arith.subi %parallel_loop3A_453, %parallel_loop3A_473 : i32
      %parallel_loop3A_475 = arith.select %parallel_loop3A_472, %parallel_loop3A_474, %parallel_loop3A_453 : i32
      %parallel_loop3A_476 = arith.constant 8 : i32
      %parallel_loop3A_477 = arith.constant 0 : i32
      %parallel_loop3A_478 = arith.cmpi eq, %parallel_loop3A_476, %parallel_loop3A_477 : i32
      %parallel_loop3A_479 = arith.constant 1 : i32
      %parallel_loop3A_480 = arith.select %parallel_loop3A_478, %parallel_loop3A_479, %parallel_loop3A_476 : i32
      %parallel_loop3A_481 = arith.remsi %parallel_loop3A_451, %parallel_loop3A_480 : i32
      %parallel_loop3A_482 = arith.constant 0 : i32
      %parallel_loop3A_483 = arith.cmpi ne, %parallel_loop3A_481, %parallel_loop3A_482 : i32
      %parallel_loop3A_484 = arith.constant 0 : i32
      %parallel_loop3A_485 = arith.cmpi slt, %parallel_loop3A_481, %parallel_loop3A_484 : i32
      %parallel_loop3A_486 = arith.constant 0 : i32
      %parallel_loop3A_487 = arith.cmpi slt, %parallel_loop3A_480, %parallel_loop3A_486 : i32
      %parallel_loop3A_488 = arith.xori %parallel_loop3A_485, %parallel_loop3A_487 : i1
      %parallel_loop3A_489 = arith.andi %parallel_loop3A_488, %parallel_loop3A_483 : i1
      %parallel_loop3A_490 = arith.addi %parallel_loop3A_481, %parallel_loop3A_480 : i32
      %parallel_loop3A_491 = arith.select %parallel_loop3A_489, %parallel_loop3A_490, %parallel_loop3A_481 : i32
      %parallel_loop3A_492 = arith.constant 16 : i32
      %parallel_loop3A_493 = arith.muli %parallel_loop3A_491, %parallel_loop3A_492 : i32
      %parallel_loop3A_494 = arith.constant 0 : i32
      %parallel_loop3A_495 = arith.constant 0 : i32
      %parallel_loop3A_496 = arith.index_cast %parallel_loop3A_494 : i32 to index
      %parallel_loop3A_497 = arith.index_cast %parallel_loop3A_475 : i32 to index
      %parallel_loop3A_498 = arith.index_cast %parallel_loop3A_495 : i32 to index
      %parallel_loop3A_499 = arith.index_cast %parallel_loop3A_493 : i32 to index
      %parallel_loop3A_500 = tpu.vector_load %arg7[%parallel_loop3A_496, %parallel_loop3A_497, %parallel_loop3A_498, %parallel_loop3A_499] {strides = array<i32>} : memref<2x125x1x128xi32, #tpu.memory_space<vmem>>, vector<16xi32>,
      %parallel_loop3A_501 = arith.constant 16 : i32
      %parallel_loop3A_502 = arith.muli %parallel_loop3A_491, %parallel_loop3A_501 : i32
      %parallel_loop3A_503 = arith.constant 0 : i32
      %parallel_loop3A_504 = arith.constant 0 : i32
      %parallel_loop3A_505 = arith.index_cast %parallel_loop3A_503 : i32 to index
      %parallel_loop3A_506 = arith.index_cast %parallel_loop3A_475 : i32 to index
      %parallel_loop3A_507 = arith.index_cast %parallel_loop3A_504 : i32 to index
      %parallel_loop3A_508 = arith.index_cast %parallel_loop3A_502 : i32 to index
      %parallel_loop3A_509 = tpu.vector_load %arg6[%parallel_loop3A_505, %parallel_loop3A_506, %parallel_loop3A_507, %parallel_loop3A_508] {strides = array<i32>} : memref<2x125x2x128xf32, #tpu.memory_space<vmem>>, vector<16xf32>,
      %parallel_loop3A_510 = arith.constant 0 : i32
      %parallel_loop3A_511 = arith.constant 0 : i32
      %parallel_loop3A_512 = tpu.memref_slice %arg5[%parallel_loop3A_510, %parallel_loop3A_511] : memref<2x10000xf32, #tpu.memory_space<vmem>> -> memref<1x10000xf32, #tpu.memory_space<vmem>>
      %parallel_loop3A_513 = tpu.memref_squeeze %parallel_loop3A_512 : memref<1x10000xf32, #tpu.memory_space<vmem>> -> memref<10000xf32, #tpu.memory_space<vmem>>
      tpu.vector_store_idx %parallel_loop3A_513[%parallel_loop3A_500], %parallel_loop3A_509 {add = true} : memref<10000xf32, #tpu.memory_space<vmem>>[vector<16xi32>], vector<16xf32>,
      %parallel_loop3A_514 = arith.constant 16 : i32
      %parallel_loop3A_515 = arith.muli %parallel_loop3A_491, %parallel_loop3A_514 : i32
      %parallel_loop3A_516 = arith.constant 0 : i32
      %parallel_loop3A_517 = arith.constant 1 : i32
      %parallel_loop3A_518 = arith.index_cast %parallel_loop3A_516 : i32 to index
      %parallel_loop3A_519 = arith.index_cast %parallel_loop3A_475 : i32 to index
      %parallel_loop3A_520 = arith.index_cast %parallel_loop3A_517 : i32 to index
      %parallel_loop3A_521 = arith.index_cast %parallel_loop3A_515 : i32 to index
      %parallel_loop3A_522 = tpu.vector_load %arg6[%parallel_loop3A_518, %parallel_loop3A_519, %parallel_loop3A_520, %parallel_loop3A_521] {strides = array<i32>} : memref<2x125x2x128xf32, #tpu.memory_space<vmem>>, vector<16xf32>,
      %parallel_loop3A_523 = arith.constant 1 : i32
      %parallel_loop3A_524 = arith.constant 0 : i32
      %parallel_loop3A_525 = tpu.memref_slice %arg5[%parallel_loop3A_523, %parallel_loop3A_524] : memref<2x10000xf32, #tpu.memory_space<vmem>> -> memref<1x10000xf32, #tpu.memory_space<vmem>>
      %parallel_loop3A_526 = tpu.memref_squeeze %parallel_loop3A_525 : memref<1x10000xf32, #tpu.memory_space<vmem>> -> memref<10000xf32, #tpu.memory_space<vmem>>
      tpu.vector_store_idx %parallel_loop3A_526[%parallel_loop3A_500], %parallel_loop3A_522 {add = true} : memref<10000xf32, #tpu.memory_space<vmem>>[vector<16xi32>], vector<16xf32>,
    } {sc.loop_unroll_factor = 8 : i64, sc.parallel_access}
    %dma_wait3A_337 = arith.constant 1 : i32
    %dma_wait3A_338 = arith.constant 0 : i32
    %dma_wait3A_339 = arith.constant 0 : i32
    %dma_wait3A_340 = arith.constant 0 : i32
    %dma_wait3A_341 = tpu.memref_slice %arg6[%dma_wait3A_337, %dma_wait3A_338, %dma_wait3A_339, %dma_wait3A_340] : memref<2x125x2x128xf32, #tpu.memory_space<vmem>> -> memref<1x125x2x128xf32, #tpu.memory_space<vmem>>
    %dma_wait3A_342 = tpu.memref_squeeze %dma_wait3A_341 : memref<1x125x2x128xf32, #tpu.memory_space<vmem>> -> memref<125x2x128xf32, #tpu.memory_space<vmem>>
    %dma_wait3A_343 = arith.constant 0 : i32
    %dma_wait3A_344 = tpu.memref_slice %arg2[%select_n3A_54, %add3A_299, %mul3A_72, %dma_wait3A_343] : memref<2x2500x8x128xf32, #tpu.memory_space<hbm>> -> memref<1x125x2x128xf32, #tpu.memory_space<hbm>>
    %dma_wait3A_345 = tpu.memref_squeeze %dma_wait3A_344 : memref<1x125x2x128xf32, #tpu.memory_space<hbm>> -> memref<125x2x128xf32, #tpu.memory_space<hbm>>
    %dma_wait3A_346 = arith.constant 0 : i32
    %dma_wait3A_347 = arith.constant 0 : i32
    %dma_wait3A_348 = arith.constant 0 : i32
    %dma_wait3A_349 = tpu.memref_slice %arg6[%dma_wait3A_337, %dma_wait3A_346, %dma_wait3A_347, %dma_wait3A_348] : memref<2x125x2x128xf32, #tpu.memory_space<vmem>> -> memref<1x125x2x128xf32, #tpu.memory_space<vmem>>
    %dma_wait3A_350 = tpu.memref_squeeze %dma_wait3A_349 : memref<1x125x2x128xf32, #tpu.memory_space<vmem>> -> memref<125x2x128xf32, #tpu.memory_space<vmem>>
    %dma_wait3A_351 = arith.constant 0 : i32
    %dma_wait3A_352 = tpu.memref_slice %arg2[%select_n3A_54, %add3A_299, %mul3A_72, %dma_wait3A_351] : memref<2x2500x8x128xf32, #tpu.memory_space<hbm>> -> memref<1x125x2x128xf32, #tpu.memory_space<hbm>>
    %dma_wait3A_353 = tpu.memref_squeeze %dma_wait3A_352 : memref<1x125x2x128xf32, #tpu.memory_space<hbm>> -> memref<125x2x128xf32, #tpu.memory_space<hbm>>
    tpu.wait_dma2 semaphore(%arg9 : memref<!tpu.dma_semaphore, #tpu.memory_space<semaphore_mem>>) src(%dma_wait3A_353 : memref<125x2x128xf32, #tpu.memory_space<hbm>>) dst(%dma_wait3A_350 : memref<125x2x128xf32, #tpu.memory_space<vmem>>)
    %dma_wait3A_354 = arith.constant 1 : i32
    %dma_wait3A_355 = arith.constant 0 : i32
    %dma_wait3A_356 = arith.constant 0 : i32
    %dma_wait3A_357 = arith.constant 0 : i32
    %dma_wait3A_358 = tpu.memref_slice %arg7[%dma_wait3A_354, %dma_wait3A_355, %dma_wait3A_356, %dma_wait3A_357] : memref<2x125x1x128xi32, #tpu.memory_space<vmem>> -> memref<1x125x1x128xi32, #tpu.memory_space<vmem>>
    %dma_wait3A_359 = tpu.memref_squeeze %dma_wait3A_358 : memref<1x125x1x128xi32, #tpu.memory_space<vmem>> -> memref<125x1x128xi32, #tpu.memory_space<vmem>>
    %dma_wait3A_360 = arith.constant 1 : i32
    %dma_wait3A_361 = arith.constant 0 : i32
    %dma_wait3A_362 = tpu.memref_slice %arg3[%add3A_299, %dma_wait3A_360, %dma_wait3A_361] : memref<2500x2x128xi32, #tpu.memory_space<hbm>> -> memref<125x1x128xi32, #tpu.memory_space<hbm>>
    %dma_wait3A_363 = arith.constant 0 : i32
    %dma_wait3A_364 = arith.constant 0 : i32
    %dma_wait3A_365 = arith.constant 0 : i32
    %dma_wait3A_366 = tpu.memref_slice %arg7[%dma_wait3A_354, %dma_wait3A_363, %dma_wait3A_364, %dma_wait3A_365] : memref<2x125x1x128xi32, #tpu.memory_space<vmem>> -> memref<1x125x1x128xi32, #tpu.memory_space<vmem>>
    %dma_wait3A_367 = tpu.memref_squeeze %dma_wait3A_366 : memref<1x125x1x128xi32, #tpu.memory_space<vmem>> -> memref<125x1x128xi32, #tpu.memory_space<vmem>>
    %dma_wait3A_368 = arith.constant 1 : i32
    %dma_wait3A_369 = arith.constant 0 : i32
    %dma_wait3A_370 = tpu.memref_slice %arg3[%add3A_299, %dma_wait3A_368, %dma_wait3A_369] : memref<2500x2x128xi32, #tpu.memory_space<hbm>> -> memref<125x1x128xi32, #tpu.memory_space<hbm>>
    tpu.wait_dma2 semaphore(%arg11 : memref<!tpu.dma_semaphore, #tpu.memory_space<semaphore_mem>>) src(%dma_wait3A_370 : memref<125x1x128xi32, #tpu.memory_space<hbm>>) dst(%dma_wait3A_367 : memref<125x1x128xi32, #tpu.memory_space<vmem>>)
    %mul3A_371 = arith.constant 625 : i32
    %mul3A_372 = arith.muli %select_n3A_30, %mul3A_371 : i32
    %add3A_373 = arith.constant 500 : i32
    %add3A_374 = arith.addi %mul3A_372, %add3A_373 : i32
    %dma_start3A_375 = arith.constant 0 : i32
    %dma_start3A_376 = arith.constant 0 : i32
    %dma_start3A_377 = arith.constant 0 : i32
    %dma_start3A_378 = arith.constant 0 : i32
    %dma_start3A_379 = tpu.memref_slice %arg6[%dma_start3A_375, %dma_start3A_376, %dma_start3A_377, %dma_start3A_378] : memref<2x125x2x128xf32, #tpu.memory_space<vmem>> -> memref<1x125x2x128xf32, #tpu.memory_space<vmem>>
    %dma_start3A_380 = tpu.memref_squeeze %dma_start3A_379 : memref<1x125x2x128xf32, #tpu.memory_space<vmem>> -> memref<125x2x128xf32, #tpu.memory_space<vmem>>
    %dma_start3A_381 = arith.constant 0 : i32
    %dma_start3A_382 = tpu.memref_slice %arg2[%select_n3A_54, %add3A_374, %mul3A_72, %dma_start3A_381] : memref<2x2500x8x128xf32, #tpu.memory_space<hbm>> -> memref<1x125x2x128xf32, #tpu.memory_space<hbm>>
    %dma_start3A_383 = tpu.memref_squeeze %dma_start3A_382 : memref<1x125x2x128xf32, #tpu.memory_space<hbm>> -> memref<125x2x128xf32, #tpu.memory_space<hbm>>
    %dma_start3A_384 = arith.constant 0 : i32
    %dma_start3A_385 = arith.constant 0 : i32
    %dma_start3A_386 = arith.constant 0 : i32
    %dma_start3A_387 = tpu.memref_slice %arg6[%dma_start3A_375, %dma_start3A_384, %dma_start3A_385, %dma_start3A_386] : memref<2x125x2x128xf32, #tpu.memory_space<vmem>> -> memref<1x125x2x128xf32, #tpu.memory_space<vmem>>
    %dma_start3A_388 = tpu.memref_squeeze %dma_start3A_387 : memref<1x125x2x128xf32, #tpu.memory_space<vmem>> -> memref<125x2x128xf32, #tpu.memory_space<vmem>>
    %dma_start3A_389 = arith.constant 0 : i32
    %dma_start3A_390 = tpu.memref_slice %arg2[%select_n3A_54, %add3A_374, %mul3A_72, %dma_start3A_389] : memref<2x2500x8x128xf32, #tpu.memory_space<hbm>> -> memref<1x125x2x128xf32, #tpu.memory_space<hbm>>
    %dma_start3A_391 = tpu.memref_squeeze %dma_start3A_390 : memref<1x125x2x128xf32, #tpu.memory_space<hbm>> -> memref<125x2x128xf32, #tpu.memory_space<hbm>>
    tpu.enqueue_dma source(%dma_start3A_391 : memref<125x2x128xf32, #tpu.memory_space<hbm>>) target(%dma_start3A_388 : memref<125x2x128xf32, #tpu.memory_space<vmem>>) target_semaphore(%arg8 : memref<!tpu.dma_semaphore, #tpu.memory_space<semaphore_mem>>)
    %dma_start3A_392 = arith.constant 0 : i32
    %dma_start3A_393 = arith.constant 0 : i32
    %dma_start3A_394 = arith.constant 0 : i32
    %dma_start3A_395 = arith.constant 0 : i32
    %dma_start3A_396 = tpu.memref_slice %arg7[%dma_start3A_392, %dma_start3A_393, %dma_start3A_394, %dma_start3A_395] : memref<2x125x1x128xi32, #tpu.memory_space<vmem>> -> memref<1x125x1x128xi32, #tpu.memory_space<vmem>>
    %dma_start3A_397 = tpu.memref_squeeze %dma_start3A_396 : memref<1x125x1x128xi32, #tpu.memory_space<vmem>> -> memref<125x1x128xi32, #tpu.memory_space<vmem>>
    %dma_start3A_398 = arith.constant 1 : i32
    %dma_start3A_399 = arith.constant 0 : i32
    %dma_start3A_400 = tpu.memref_slice %arg3[%add3A_374, %dma_start3A_398, %dma_start3A_399] : memref<2500x2x128xi32, #tpu.memory_space<hbm>> -> memref<125x1x128xi32, #tpu.memory_space<hbm>>
    %dma_start3A_401 = arith.constant 0 : i32
    %dma_start3A_402 = arith.constant 0 : i32
    %dma_start3A_403 = arith.constant 0 : i32
    %dma_start3A_404 = tpu.memref_slice %arg7[%dma_start3A_392, %dma_start3A_401, %dma_start3A_402, %dma_start3A_403] : memref<2x125x1x128xi32, #tpu.memory_space<vmem>> -> memref<1x125x1x128xi32, #tpu.memory_space<vmem>>
    %dma_start3A_405 = tpu.memref_squeeze %dma_start3A_404 : memref<1x125x1x128xi32, #tpu.memory_space<vmem>> -> memref<125x1x128xi32, #tpu.memory_space<vmem>>
    %dma_start3A_406 = arith.constant 1 : i32
    %dma_start3A_407 = arith.constant 0 : i32
    %dma_start3A_408 = tpu.memref_slice %arg3[%add3A_374, %dma_start3A_406, %dma_start3A_407] : memref<2500x2x128xi32, #tpu.memory_space<hbm>> -> memref<125x1x128xi32, #tpu.memory_space<hbm>>
    tpu.enqueue_dma source(%dma_start3A_408 : memref<125x1x128xi32, #tpu.memory_space<hbm>>) target(%dma_start3A_405 : memref<125x1x128xi32, #tpu.memory_space<vmem>>) target_semaphore(%arg10 : memref<!tpu.dma_semaphore, #tpu.memory_space<semaphore_mem>>)
    %parallel_loop3A_409 = arith.constant 0 : i32
    %parallel_loop3A_410 = arith.constant 1000 : i32
    %parallel_loop3A_411 = arith.constant 1 : i32
    scf.for %parallel_loop3A_451 = %parallel_loop3A_409 to %parallel_loop3A_410 step %parallel_loop3A_411  : i32 {
      %parallel_loop3A_452 = arith.constant 8 : i32
      %parallel_loop3A_453 = arith.divsi %parallel_loop3A_451, %parallel_loop3A_452 : i32
      %parallel_loop3A_454 = arith.constant 0 : i32
      %parallel_loop3A_455 = arith.cmpi sgt, %parallel_loop3A_451, %parallel_loop3A_454 : i32
      %parallel_loop3A_456 = arith.extui %parallel_loop3A_455 : i1 to i32
      %parallel_loop3A_457 = arith.constant 0 : i32
      %parallel_loop3A_458 = arith.cmpi slt, %parallel_loop3A_451, %parallel_loop3A_457 : i32
      %parallel_loop3A_459 = arith.extui %parallel_loop3A_458 : i1 to i32
      %parallel_loop3A_460 = arith.subi %parallel_loop3A_456, %parallel_loop3A_459 : i32
      %parallel_loop3A_461 = arith.constant 0 : i32
      %parallel_loop3A_462 = arith.cmpi sgt, %parallel_loop3A_452, %parallel_loop3A_461 : i32
      %parallel_loop3A_463 = arith.extui %parallel_loop3A_462 : i1 to i32
      %parallel_loop3A_464 = arith.constant 0 : i32
      %parallel_loop3A_465 = arith.cmpi slt, %parallel_loop3A_452, %parallel_loop3A_464 : i32
      %parallel_loop3A_466 = arith.extui %parallel_loop3A_465 : i1 to i32
      %parallel_loop3A_467 = arith.subi %parallel_loop3A_463, %parallel_loop3A_466 : i32
      %parallel_loop3A_468 = arith.cmpi ne, %parallel_loop3A_460, %parallel_loop3A_467 : i32
      %parallel_loop3A_469 = arith.remsi %parallel_loop3A_451, %parallel_loop3A_452 : i32
      %parallel_loop3A_470 = arith.constant 0 : i32
      %parallel_loop3A_471 = arith.cmpi ne, %parallel_loop3A_469, %parallel_loop3A_470 : i32
      %parallel_loop3A_472 = arith.andi %parallel_loop3A_468, %parallel_loop3A_471 : i1
      %parallel_loop3A_473 = arith.constant 1 : i32
      %parallel_loop3A_474 = arith.subi %parallel_loop3A_453, %parallel_loop3A_473 : i32
      %parallel_loop3A_475 = arith.select %parallel_loop3A_472, %parallel_loop3A_474, %parallel_loop3A_453 : i32
      %parallel_loop3A_476 = arith.constant 8 : i32
      %parallel_loop3A_477 = arith.constant 0 : i32
      %parallel_loop3A_478 = arith.cmpi eq, %parallel_loop3A_476, %parallel_loop3A_477 : i32
      %parallel_loop3A_479 = arith.constant 1 : i32
      %parallel_loop3A_480 = arith.select %parallel_loop3A_478, %parallel_loop3A_479, %parallel_loop3A_476 : i32
      %parallel_loop3A_481 = arith.remsi %parallel_loop3A_451, %parallel_loop3A_480 : i32
      %parallel_loop3A_482 = arith.constant 0 : i32
      %parallel_loop3A_483 = arith.cmpi ne, %parallel_loop3A_481, %parallel_loop3A_482 : i32
      %parallel_loop3A_484 = arith.constant 0 : i32
      %parallel_loop3A_485 = arith.cmpi slt, %parallel_loop3A_481, %parallel_loop3A_484 : i32
      %parallel_loop3A_486 = arith.constant 0 : i32
      %parallel_loop3A_487 = arith.cmpi slt, %parallel_loop3A_480, %parallel_loop3A_486 : i32
      %parallel_loop3A_488 = arith.xori %parallel_loop3A_485, %parallel_loop3A_487 : i1
      %parallel_loop3A_489 = arith.andi %parallel_loop3A_488, %parallel_loop3A_483 : i1
      %parallel_loop3A_490 = arith.addi %parallel_loop3A_481, %parallel_loop3A_480 : i32
      %parallel_loop3A_491 = arith.select %parallel_loop3A_489, %parallel_loop3A_490, %parallel_loop3A_481 : i32
      %parallel_loop3A_492 = arith.constant 16 : i32
      %parallel_loop3A_493 = arith.muli %parallel_loop3A_491, %parallel_loop3A_492 : i32
      %parallel_loop3A_494 = arith.constant 1 : i32
      %parallel_loop3A_495 = arith.constant 0 : i32
      %parallel_loop3A_496 = arith.index_cast %parallel_loop3A_494 : i32 to index
      %parallel_loop3A_497 = arith.index_cast %parallel_loop3A_475 : i32 to index
      %parallel_loop3A_498 = arith.index_cast %parallel_loop3A_495 : i32 to index
      %parallel_loop3A_499 = arith.index_cast %parallel_loop3A_493 : i32 to index
      %parallel_loop3A_500 = tpu.vector_load %arg7[%parallel_loop3A_496, %parallel_loop3A_497, %parallel_loop3A_498, %parallel_loop3A_499] {strides = array<i32>} : memref<2x125x1x128xi32, #tpu.memory_space<vmem>>, vector<16xi32>,
      %parallel_loop3A_501 = arith.constant 16 : i32
      %parallel_loop3A_502 = arith.muli %parallel_loop3A_491, %parallel_loop3A_501 : i32
      %parallel_loop3A_503 = arith.constant 1 : i32
      %parallel_loop3A_504 = arith.constant 0 : i32
      %parallel_loop3A_505 = arith.index_cast %parallel_loop3A_503 : i32 to index
      %parallel_loop3A_506 = arith.index_cast %parallel_loop3A_475 : i32 to index
      %parallel_loop3A_507 = arith.index_cast %parallel_loop3A_504 : i32 to index
      %parallel_loop3A_508 = arith.index_cast %parallel_loop3A_502 : i32 to index
      %parallel_loop3A_509 = tpu.vector_load %arg6[%parallel_loop3A_505, %parallel_loop3A_506, %parallel_loop3A_507, %parallel_loop3A_508] {strides = array<i32>} : memref<2x125x2x128xf32, #tpu.memory_space<vmem>>, vector<16xf32>,
      %parallel_loop3A_510 = arith.constant 0 : i32
      %parallel_loop3A_511 = arith.constant 0 : i32
      %parallel_loop3A_512 = tpu.memref_slice %arg5[%parallel_loop3A_510, %parallel_loop3A_511] : memref<2x10000xf32, #tpu.memory_space<vmem>> -> memref<1x10000xf32, #tpu.memory_space<vmem>>
      %parallel_loop3A_513 = tpu.memref_squeeze %parallel_loop3A_512 : memref<1x10000xf32, #tpu.memory_space<vmem>> -> memref<10000xf32, #tpu.memory_space<vmem>>
      tpu.vector_store_idx %parallel_loop3A_513[%parallel_loop3A_500], %parallel_loop3A_509 {add = true} : memref<10000xf32, #tpu.memory_space<vmem>>[vector<16xi32>], vector<16xf32>,
      %parallel_loop3A_514 = arith.constant 16 : i32
      %parallel_loop3A_515 = arith.muli %parallel_loop3A_491, %parallel_loop3A_514 : i32
      %parallel_loop3A_516 = arith.constant 1 : i32
      %parallel_loop3A_517 = arith.constant 1 : i32
      %parallel_loop3A_518 = arith.index_cast %parallel_loop3A_516 : i32 to index
      %parallel_loop3A_519 = arith.index_cast %parallel_loop3A_475 : i32 to index
      %parallel_loop3A_520 = arith.index_cast %parallel_loop3A_517 : i32 to index
      %parallel_loop3A_521 = arith.index_cast %parallel_loop3A_515 : i32 to index
      %parallel_loop3A_522 = tpu.vector_load %arg6[%parallel_loop3A_518, %parallel_loop3A_519, %parallel_loop3A_520, %parallel_loop3A_521] {strides = array<i32>} : memref<2x125x2x128xf32, #tpu.memory_space<vmem>>, vector<16xf32>,
      %parallel_loop3A_523 = arith.constant 1 : i32
      %parallel_loop3A_524 = arith.constant 0 : i32
      %parallel_loop3A_525 = tpu.memref_slice %arg5[%parallel_loop3A_523, %parallel_loop3A_524] : memref<2x10000xf32, #tpu.memory_space<vmem>> -> memref<1x10000xf32, #tpu.memory_space<vmem>>
      %parallel_loop3A_526 = tpu.memref_squeeze %parallel_loop3A_525 : memref<1x10000xf32, #tpu.memory_space<vmem>> -> memref<10000xf32, #tpu.memory_space<vmem>>
      tpu.vector_store_idx %parallel_loop3A_526[%parallel_loop3A_500], %parallel_loop3A_522 {add = true} : memref<10000xf32, #tpu.memory_space<vmem>>[vector<16xi32>], vector<16xf32>,
    } {sc.loop_unroll_factor = 8 : i64, sc.parallel_access}
    %dma_wait3A_412 = arith.constant 0 : i32
    %dma_wait3A_413 = arith.constant 0 : i32
    %dma_wait3A_414 = arith.constant 0 : i32
    %dma_wait3A_415 = arith.constant 0 : i32
    %dma_wait3A_416 = tpu.memref_slice %arg6[%dma_wait3A_412, %dma_wait3A_413, %dma_wait3A_414, %dma_wait3A_415] : memref<2x125x2x128xf32, #tpu.memory_space<vmem>> -> memref<1x125x2x128xf32, #tpu.memory_space<vmem>>
    %dma_wait3A_417 = tpu.memref_squeeze %dma_wait3A_416 : memref<1x125x2x128xf32, #tpu.memory_space<vmem>> -> memref<125x2x128xf32, #tpu.memory_space<vmem>>
    %dma_wait3A_418 = arith.constant 0 : i32
    %dma_wait3A_419 = tpu.memref_slice %arg2[%select_n3A_54, %add3A_374, %mul3A_72, %dma_wait3A_418] : memref<2x2500x8x128xf32, #tpu.memory_space<hbm>> -> memref<1x125x2x128xf32, #tpu.memory_space<hbm>>
    %dma_wait3A_420 = tpu.memref_squeeze %dma_wait3A_419 : memref<1x125x2x128xf32, #tpu.memory_space<hbm>> -> memref<125x2x128xf32, #tpu.memory_space<hbm>>
    %dma_wait3A_421 = arith.constant 0 : i32
    %dma_wait3A_422 = arith.constant 0 : i32
    %dma_wait3A_423 = arith.constant 0 : i32
    %dma_wait3A_424 = tpu.memref_slice %arg6[%dma_wait3A_412, %dma_wait3A_421, %dma_wait3A_422, %dma_wait3A_423] : memref<2x125x2x128xf32, #tpu.memory_space<vmem>> -> memref<1x125x2x128xf32, #tpu.memory_space<vmem>>
    %dma_wait3A_425 = tpu.memref_squeeze %dma_wait3A_424 : memref<1x125x2x128xf32, #tpu.memory_space<vmem>> -> memref<125x2x128xf32, #tpu.memory_space<vmem>>
    %dma_wait3A_426 = arith.constant 0 : i32
    %dma_wait3A_427 = tpu.memref_slice %arg2[%select_n3A_54, %add3A_374, %mul3A_72, %dma_wait3A_426] : memref<2x2500x8x128xf32, #tpu.memory_space<hbm>> -> memref<1x125x2x128xf32, #tpu.memory_space<hbm>>
    %dma_wait3A_428 = tpu.memref_squeeze %dma_wait3A_427 : memref<1x125x2x128xf32, #tpu.memory_space<hbm>> -> memref<125x2x128xf32, #tpu.memory_space<hbm>>
    tpu.wait_dma2 semaphore(%arg8 : memref<!tpu.dma_semaphore, #tpu.memory_space<semaphore_mem>>) src(%dma_wait3A_428 : memref<125x2x128xf32, #tpu.memory_space<hbm>>) dst(%dma_wait3A_425 : memref<125x2x128xf32, #tpu.memory_space<vmem>>)
    %dma_wait3A_429 = arith.constant 0 : i32
    %dma_wait3A_430 = arith.constant 0 : i32
    %dma_wait3A_431 = arith.constant 0 : i32
    %dma_wait3A_432 = arith.constant 0 : i32
    %dma_wait3A_433 = tpu.memref_slice %arg7[%dma_wait3A_429, %dma_wait3A_430, %dma_wait3A_431, %dma_wait3A_432] : memref<2x125x1x128xi32, #tpu.memory_space<vmem>> -> memref<1x125x1x128xi32, #tpu.memory_space<vmem>>
    %dma_wait3A_434 = tpu.memref_squeeze %dma_wait3A_433 : memref<1x125x1x128xi32, #tpu.memory_space<vmem>> -> memref<125x1x128xi32, #tpu.memory_space<vmem>>
    %dma_wait3A_435 = arith.constant 1 : i32
    %dma_wait3A_436 = arith.constant 0 : i32
    %dma_wait3A_437 = tpu.memref_slice %arg3[%add3A_374, %dma_wait3A_435, %dma_wait3A_436] : memref<2500x2x128xi32, #tpu.memory_space<hbm>> -> memref<125x1x128xi32, #tpu.memory_space<hbm>>
    %dma_wait3A_438 = arith.constant 0 : i32
    %dma_wait3A_439 = arith.constant 0 : i32
    %dma_wait3A_440 = arith.constant 0 : i32
    %dma_wait3A_441 = tpu.memref_slice %arg7[%dma_wait3A_429, %dma_wait3A_438, %dma_wait3A_439, %dma_wait3A_440] : memref<2x125x1x128xi32, #tpu.memory_space<vmem>> -> memref<1x125x1x128xi32, #tpu.memory_space<vmem>>
    %dma_wait3A_442 = tpu.memref_squeeze %dma_wait3A_441 : memref<1x125x1x128xi32, #tpu.memory_space<vmem>> -> memref<125x1x128xi32, #tpu.memory_space<vmem>>
    %dma_wait3A_443 = arith.constant 1 : i32
    %dma_wait3A_444 = arith.constant 0 : i32
    %dma_wait3A_445 = tpu.memref_slice %arg3[%add3A_374, %dma_wait3A_443, %dma_wait3A_444] : memref<2500x2x128xi32, #tpu.memory_space<hbm>> -> memref<125x1x128xi32, #tpu.memory_space<hbm>>
    tpu.wait_dma2 semaphore(%arg10 : memref<!tpu.dma_semaphore, #tpu.memory_space<semaphore_mem>>) src(%dma_wait3A_445 : memref<125x1x128xi32, #tpu.memory_space<hbm>>) dst(%dma_wait3A_442 : memref<125x1x128xi32, #tpu.memory_space<vmem>>)
    %parallel_loop3A_446 = arith.constant 0 : i32
    %parallel_loop3A_447 = arith.constant 1000 : i32
    %parallel_loop3A_448 = arith.constant 1 : i32
    scf.for %parallel_loop3A_451 = %parallel_loop3A_446 to %parallel_loop3A_447 step %parallel_loop3A_448  : i32 {
      %parallel_loop3A_452 = arith.constant 8 : i32
      %parallel_loop3A_453 = arith.divsi %parallel_loop3A_451, %parallel_loop3A_452 : i32
      %parallel_loop3A_454 = arith.constant 0 : i32
      %parallel_loop3A_455 = arith.cmpi sgt, %parallel_loop3A_451, %parallel_loop3A_454 : i32
      %parallel_loop3A_456 = arith.extui %parallel_loop3A_455 : i1 to i32
      %parallel_loop3A_457 = arith.constant 0 : i32
      %parallel_loop3A_458 = arith.cmpi slt, %parallel_loop3A_451, %parallel_loop3A_457 : i32
      %parallel_loop3A_459 = arith.extui %parallel_loop3A_458 : i1 to i32
      %parallel_loop3A_460 = arith.subi %parallel_loop3A_456, %parallel_loop3A_459 : i32
      %parallel_loop3A_461 = arith.constant 0 : i32
      %parallel_loop3A_462 = arith.cmpi sgt, %parallel_loop3A_452, %parallel_loop3A_461 : i32
      %parallel_loop3A_463 = arith.extui %parallel_loop3A_462 : i1 to i32
      %parallel_loop3A_464 = arith.constant 0 : i32
      %parallel_loop3A_465 = arith.cmpi slt, %parallel_loop3A_452, %parallel_loop3A_464 : i32
      %parallel_loop3A_466 = arith.extui %parallel_loop3A_465 : i1 to i32
      %parallel_loop3A_467 = arith.subi %parallel_loop3A_463, %parallel_loop3A_466 : i32
      %parallel_loop3A_468 = arith.cmpi ne, %parallel_loop3A_460, %parallel_loop3A_467 : i32
      %parallel_loop3A_469 = arith.remsi %parallel_loop3A_451, %parallel_loop3A_452 : i32
      %parallel_loop3A_470 = arith.constant 0 : i32
      %parallel_loop3A_471 = arith.cmpi ne, %parallel_loop3A_469, %parallel_loop3A_470 : i32
      %parallel_loop3A_472 = arith.andi %parallel_loop3A_468, %parallel_loop3A_471 : i1
      %parallel_loop3A_473 = arith.constant 1 : i32
      %parallel_loop3A_474 = arith.subi %parallel_loop3A_453, %parallel_loop3A_473 : i32
      %parallel_loop3A_475 = arith.select %parallel_loop3A_472, %parallel_loop3A_474, %parallel_loop3A_453 : i32
      %parallel_loop3A_476 = arith.constant 8 : i32
      %parallel_loop3A_477 = arith.constant 0 : i32
      %parallel_loop3A_478 = arith.cmpi eq, %parallel_loop3A_476, %parallel_loop3A_477 : i32
      %parallel_loop3A_479 = arith.constant 1 : i32
      %parallel_loop3A_480 = arith.select %parallel_loop3A_478, %parallel_loop3A_479, %parallel_loop3A_476 : i32
      %parallel_loop3A_481 = arith.remsi %parallel_loop3A_451, %parallel_loop3A_480 : i32
      %parallel_loop3A_482 = arith.constant 0 : i32
      %parallel_loop3A_483 = arith.cmpi ne, %parallel_loop3A_481, %parallel_loop3A_482 : i32
      %parallel_loop3A_484 = arith.constant 0 : i32
      %parallel_loop3A_485 = arith.cmpi slt, %parallel_loop3A_481, %parallel_loop3A_484 : i32
      %parallel_loop3A_486 = arith.constant 0 : i32
      %parallel_loop3A_487 = arith.cmpi slt, %parallel_loop3A_480, %parallel_loop3A_486 : i32
      %parallel_loop3A_488 = arith.xori %parallel_loop3A_485, %parallel_loop3A_487 : i1
      %parallel_loop3A_489 = arith.andi %parallel_loop3A_488, %parallel_loop3A_483 : i1
      %parallel_loop3A_490 = arith.addi %parallel_loop3A_481, %parallel_loop3A_480 : i32
      %parallel_loop3A_491 = arith.select %parallel_loop3A_489, %parallel_loop3A_490, %parallel_loop3A_481 : i32
      %parallel_loop3A_492 = arith.constant 16 : i32
      %parallel_loop3A_493 = arith.muli %parallel_loop3A_491, %parallel_loop3A_492 : i32
      %parallel_loop3A_494 = arith.constant 0 : i32
      %parallel_loop3A_495 = arith.constant 0 : i32
      %parallel_loop3A_496 = arith.index_cast %parallel_loop3A_494 : i32 to index
      %parallel_loop3A_497 = arith.index_cast %parallel_loop3A_475 : i32 to index
      %parallel_loop3A_498 = arith.index_cast %parallel_loop3A_495 : i32 to index
      %parallel_loop3A_499 = arith.index_cast %parallel_loop3A_493 : i32 to index
      %parallel_loop3A_500 = tpu.vector_load %arg7[%parallel_loop3A_496, %parallel_loop3A_497, %parallel_loop3A_498, %parallel_loop3A_499] {strides = array<i32>} : memref<2x125x1x128xi32, #tpu.memory_space<vmem>>, vector<16xi32>,
      %parallel_loop3A_501 = arith.constant 16 : i32
      %parallel_loop3A_502 = arith.muli %parallel_loop3A_491, %parallel_loop3A_501 : i32
      %parallel_loop3A_503 = arith.constant 0 : i32
      %parallel_loop3A_504 = arith.constant 0 : i32
      %parallel_loop3A_505 = arith.index_cast %parallel_loop3A_503 : i32 to index
      %parallel_loop3A_506 = arith.index_cast %parallel_loop3A_475 : i32 to index
      %parallel_loop3A_507 = arith.index_cast %parallel_loop3A_504 : i32 to index
      %parallel_loop3A_508 = arith.index_cast %parallel_loop3A_502 : i32 to index
      %parallel_loop3A_509 = tpu.vector_load %arg6[%parallel_loop3A_505, %parallel_loop3A_506, %parallel_loop3A_507, %parallel_loop3A_508] {strides = array<i32>} : memref<2x125x2x128xf32, #tpu.memory_space<vmem>>, vector<16xf32>,
      %parallel_loop3A_510 = arith.constant 0 : i32
      %parallel_loop3A_511 = arith.constant 0 : i32
      %parallel_loop3A_512 = tpu.memref_slice %arg5[%parallel_loop3A_510, %parallel_loop3A_511] : memref<2x10000xf32, #tpu.memory_space<vmem>> -> memref<1x10000xf32, #tpu.memory_space<vmem>>
      %parallel_loop3A_513 = tpu.memref_squeeze %parallel_loop3A_512 : memref<1x10000xf32, #tpu.memory_space<vmem>> -> memref<10000xf32, #tpu.memory_space<vmem>>
      tpu.vector_store_idx %parallel_loop3A_513[%parallel_loop3A_500], %parallel_loop3A_509 {add = true} : memref<10000xf32, #tpu.memory_space<vmem>>[vector<16xi32>], vector<16xf32>,
      %parallel_loop3A_514 = arith.constant 16 : i32
      %parallel_loop3A_515 = arith.muli %parallel_loop3A_491, %parallel_loop3A_514 : i32
      %parallel_loop3A_516 = arith.constant 0 : i32
      %parallel_loop3A_517 = arith.constant 1 : i32
      %parallel_loop3A_518 = arith.index_cast %parallel_loop3A_516 : i32 to index
      %parallel_loop3A_519 = arith.index_cast %parallel_loop3A_475 : i32 to index
      %parallel_loop3A_520 = arith.index_cast %parallel_loop3A_517 : i32 to index
      %parallel_loop3A_521 = arith.index_cast %parallel_loop3A_515 : i32 to index
      %parallel_loop3A_522 = tpu.vector_load %arg6[%parallel_loop3A_518, %parallel_loop3A_519, %parallel_loop3A_520, %parallel_loop3A_521] {strides = array<i32>} : memref<2x125x2x128xf32, #tpu.memory_space<vmem>>, vector<16xf32>,
      %parallel_loop3A_523 = arith.constant 1 : i32
      %parallel_loop3A_524 = arith.constant 0 : i32
      %parallel_loop3A_525 = tpu.memref_slice %arg5[%parallel_loop3A_523, %parallel_loop3A_524] : memref<2x10000xf32, #tpu.memory_space<vmem>> -> memref<1x10000xf32, #tpu.memory_space<vmem>>
      %parallel_loop3A_526 = tpu.memref_squeeze %parallel_loop3A_525 : memref<1x10000xf32, #tpu.memory_space<vmem>> -> memref<10000xf32, #tpu.memory_space<vmem>>
      tpu.vector_store_idx %parallel_loop3A_526[%parallel_loop3A_500], %parallel_loop3A_522 {add = true} : memref<10000xf32, #tpu.memory_space<vmem>>[vector<16xi32>], vector<16xf32>,
    } {sc.loop_unroll_factor = 8 : i64, sc.parallel_access}
    %mul3A_449 = arith.constant 2 : i32
    %mul3A_450 = arith.muli %mul3A_449, %select_n3A_9 : i32
    "tpu.region"() ({
      %run_scoped3A = tpu.sem_alloc : memref<!tpu.dma_semaphore, #tpu.memory_space<semaphore_mem>>
      %dma_start3A_451 = arith.constant 0 : i32
      %dma_start3A_452 = tpu.memref_slice %arg4[%select_n3A_30, %mul3A_450, %dma_start3A_451] : memref<4x16x10240xf32, #tpu.memory_space<hbm>> -> memref<1x2x10000xf32, #tpu.memory_space<hbm>>
      %dma_start3A_453 = tpu.memref_squeeze %dma_start3A_452 : memref<1x2x10000xf32, #tpu.memory_space<hbm>> -> memref<2x10000xf32, #tpu.memory_space<hbm>>
      %dma_start3A_454 = arith.constant 0 : i32
      %dma_start3A_455 = tpu.memref_slice %arg4[%select_n3A_30, %mul3A_450, %dma_start3A_454] : memref<4x16x10240xf32, #tpu.memory_space<hbm>> -> memref<1x2x10000xf32, #tpu.memory_space<hbm>>
      %dma_start3A_456 = tpu.memref_squeeze %dma_start3A_455 : memref<1x2x10000xf32, #tpu.memory_space<hbm>> -> memref<2x10000xf32, #tpu.memory_space<hbm>>
      tpu.enqueue_dma source(%arg5 : memref<2x10000xf32, #tpu.memory_space<vmem>>) target(%dma_start3A_456 : memref<2x10000xf32, #tpu.memory_space<hbm>>) target_semaphore(%run_scoped3A : memref<!tpu.dma_semaphore, #tpu.memory_space<semaphore_mem>>)
      %dma_wait3A_457 = arith.constant 0 : i32
      %dma_wait3A_458 = tpu.memref_slice %arg4[%select_n3A_30, %mul3A_450, %dma_wait3A_457] : memref<4x16x10240xf32, #tpu.memory_space<hbm>> -> memref<1x2x10000xf32, #tpu.memory_space<hbm>>
      %dma_wait3A_459 = tpu.memref_squeeze %dma_wait3A_458 : memref<1x2x10000xf32, #tpu.memory_space<hbm>> -> memref<2x10000xf32, #tpu.memory_space<hbm>>
      %dma_wait3A_460 = arith.constant 0 : i32
      %dma_wait3A_461 = tpu.memref_slice %arg4[%select_n3A_30, %mul3A_450, %dma_wait3A_460] : memref<4x16x10240xf32, #tpu.memory_space<hbm>> -> memref<1x2x10000xf32, #tpu.memory_space<hbm>>
      %dma_wait3A_462 = tpu.memref_squeeze %dma_wait3A_461 : memref<1x2x10000xf32, #tpu.memory_space<hbm>> -> memref<2x10000xf32, #tpu.memory_space<hbm>>
      tpu.wait_dma2 semaphore(%run_scoped3A : memref<!tpu.dma_semaphore, #tpu.memory_space<semaphore_mem>>) src(%arg5 : memref<2x10000xf32, #tpu.memory_space<vmem>>) dst(%dma_wait3A_462 : memref<2x10000xf32, #tpu.memory_space<hbm>>)
      tpu.yield
    }) : () -> ()
    return
  }
}

module attributes {stable_mosaic.version = 14 : i64} {
  func.func @_mlp_body(%arg0: i32, %arg1: memref<2048x128xf32, #tpu.memory_space<vmem>>, %arg2: memref<4x2x8x16x128xf32, #tpu.memory_space<vmem>>, %arg3: memref<16x128xf32, #tpu.memory_space<vmem>>, %arg4: memref<128x128xf32, #tpu.memory_space<vmem>>, %arg5: memref<1x128xf32, #tpu.memory_space<vmem>>, %arg6: memref<128x128xf32, #tpu.memory_space<vmem>>, %arg7: memref<16x128xf32, #tpu.memory_space<vmem>>, %arg8: memref<1x128xf32, #tpu.memory_space<vmem>>, %arg9: memref<128x128xf32, #tpu.memory_space<vmem>>, %arg10: memref<1x128xf32, #tpu.memory_space<vmem>>, %arg11: memref<2048x128xf32, #tpu.memory_space<vmem>>) attributes {dimension_semantics = [#tpu.dimension_semantics<arbitrary>], iteration_bounds = array<i64: 5>, scalar_prefetch = 0 : i64, scratch_operands = 0 : i64, tpu.core_type = #tpu.core_type<tc>, window_params = [{transform_indices = @transform_0, window_bounds = array<i64: 2048, 128>}, {transform_indices = @transform_1, window_bounds = array<i64: 4, 2, 8, 16, 128>}, {pipeline_mode = #tpu.pipeline_mode<synchronous>, transform_indices = @transform_2, window_bounds = array<i64: 16, 128>}, {pipeline_mode = #tpu.pipeline_mode<synchronous>, transform_indices = @transform_3, window_bounds = array<i64: 128, 128>}, {pipeline_mode = #tpu.pipeline_mode<synchronous>, transform_indices = @transform_4, window_bounds = array<i64: 1, 128>}, {pipeline_mode = #tpu.pipeline_mode<synchronous>, transform_indices = @transform_5, window_bounds = array<i64: 128, 128>}, {pipeline_mode = #tpu.pipeline_mode<synchronous>, transform_indices = @transform_6, window_bounds = array<i64: 16, 128>}, {pipeline_mode = #tpu.pipeline_mode<synchronous>, transform_indices = @transform_7, window_bounds = array<i64: 1, 128>}, {pipeline_mode = #tpu.pipeline_mode<synchronous>, transform_indices = @transform_8, window_bounds = array<i64: 128, 128>}, {pipeline_mode = #tpu.pipeline_mode<synchronous>, transform_indices = @transform_9, window_bounds = array<i64: 1, 128>}, {transform_indices = @transform_10, window_bounds = array<i64: 2048, 128>}]} {
    %get3A = arith.constant 0 : index
    %get3A_0 = arith.constant 0 : index
    %get3A_1 = arith.constant 0 : index
    %get3A_2 = arith.constant 0 : index
    %get3A_3 = arith.constant 0 : index
    %get3A_4 = vector.load %arg2[%get3A, %get3A_0, %get3A_1, %get3A_2, %get3A_3] : memref<4x2x8x16x128xf32, #tpu.memory_space<vmem>>, vector<4x2x8x16x128xf32>
    %slice3A = vector.extract_strided_slice %get3A_4 {offsets = [0, 0, 0, 0, 0], sizes = [1, 2, 8, 16, 128], strides = [1, 1, 1, 1, 1]} : vector<4x2x8x16x128xf32> to vector<1x2x8x16x128xf32>
    %squeeze3A = vector.shape_cast %slice3A : vector<1x2x8x16x128xf32> to vector<2x8x16x128xf32>
    %slice3A_5 = vector.extract_strided_slice %get3A_4 {offsets = [1, 0, 0, 0, 0], sizes = [1, 2, 8, 16, 128], strides = [1, 1, 1, 1, 1]} : vector<4x2x8x16x128xf32> to vector<1x2x8x16x128xf32>
    %squeeze3A_6 = vector.shape_cast %slice3A_5 : vector<1x2x8x16x128xf32> to vector<2x8x16x128xf32>
    %add3A = arith.addf %squeeze3A, %squeeze3A_6 : vector<2x8x16x128xf32>
    %slice3A_7 = vector.extract_strided_slice %get3A_4 {offsets = [2, 0, 0, 0, 0], sizes = [1, 2, 8, 16, 128], strides = [1, 1, 1, 1, 1]} : vector<4x2x8x16x128xf32> to vector<1x2x8x16x128xf32>
    %squeeze3A_8 = vector.shape_cast %slice3A_7 : vector<1x2x8x16x128xf32> to vector<2x8x16x128xf32>
    %add3A_9 = arith.addf %add3A, %squeeze3A_8 : vector<2x8x16x128xf32>
    %slice3A_10 = vector.extract_strided_slice %get3A_4 {offsets = [3, 0, 0, 0, 0], sizes = [1, 2, 8, 16, 128], strides = [1, 1, 1, 1, 1]} : vector<4x2x8x16x128xf32> to vector<1x2x8x16x128xf32>
    %squeeze3A_11 = vector.shape_cast %slice3A_10 : vector<1x2x8x16x128xf32> to vector<2x8x16x128xf32>
    %add3A_12 = arith.addf %add3A_9, %squeeze3A_11 : vector<2x8x16x128xf32>
    %reshape3A = vector.shape_cast %add3A_12 : vector<2x8x16x128xf32> to vector<16x2048xf32>
    %get3A_13 = arith.constant 0 : index
    %get3A_14 = arith.constant 0 : index
    %get3A_15 = vector.load %arg1[%get3A_13, %get3A_14] : memref<2048x128xf32, #tpu.memory_space<vmem>>, vector<2048x128xf32>
    %get3A_16 = arith.constant 0 : index
    %get3A_17 = arith.constant 0 : index
    %get3A_18 = vector.load %arg3[%get3A_16, %get3A_17] : memref<16x128xf32, #tpu.memory_space<vmem>>, vector<16x128xf32>
    %dot_general3A = arith.constant dense<0.000000e+00> : vector<2048x128xf32>
    %dot_general3A_19 = tpu.matmul %reshape3A, %get3A_18, %dot_general3A {dimension_numbers = #tpu.dot_dimension_numbers<[0], [0], [1], [1], [0, 1, 1, 1], [], []>, transpose_lhs_hint = false} : vector<16x2048xf32>, vector<16x128xf32>, vector<2048x128xf32> -> vector<2048x128xf32>
    %add3A_20 = arith.addf %get3A_15, %dot_general3A_19 : vector<2048x128xf32>
    %max3A = arith.constant 0.000000e+00 : f32
    %max3A_21 = vector.broadcast %max3A : f32 to vector<2048x128xf32>
    %max3A_22 = arith.maximumf %add3A_20, %max3A_21 : vector<2048x128xf32>
    %get3A_23 = arith.constant 0 : index
    %get3A_24 = arith.constant 0 : index
    %get3A_25 = vector.load %arg4[%get3A_23, %get3A_24] : memref<128x128xf32, #tpu.memory_space<vmem>>, vector<128x128xf32>
    %dot_general3A_26 = arith.constant dense<0.000000e+00> : vector<2048x128xf32>
    %dot_general3A_27 = tpu.matmul %max3A_22, %get3A_25, %dot_general3A_26 {dimension_numbers = #tpu.dot_dimension_numbers<[1], [0], [0], [1], [0, 0, 1, 1], [], []>, transpose_lhs_hint = false} : vector<2048x128xf32>, vector<128x128xf32>, vector<2048x128xf32> -> vector<2048x128xf32>
    %get3A_28 = arith.constant 0 : index
    %get3A_29 = arith.constant 0 : index
    %get3A_30 = vector.load %arg5[%get3A_28, %get3A_29] : memref<1x128xf32, #tpu.memory_space<vmem>>, vector<1x128xf32>
    %add3A_31 = vector.broadcast %get3A_30 : vector<1x128xf32> to vector<2048x128xf32>
    %add3A_32 = arith.addf %dot_general3A_27, %add3A_31 : vector<2048x128xf32>
    %max3A_33 = arith.constant 0.000000e+00 : f32
    %max3A_34 = vector.broadcast %max3A_33 : f32 to vector<2048x128xf32>
    %max3A_35 = arith.maximumf %add3A_32, %max3A_34 : vector<2048x128xf32>
    %get3A_36 = arith.constant 0 : index
    %get3A_37 = arith.constant 0 : index
    %get3A_38 = vector.load %arg6[%get3A_36, %get3A_37] : memref<128x128xf32, #tpu.memory_space<vmem>>, vector<128x128xf32>
    %dot_general3A_39 = arith.constant dense<0.000000e+00> : vector<2048x128xf32>
    %dot_general3A_40 = tpu.matmul %max3A_35, %get3A_38, %dot_general3A_39 {dimension_numbers = #tpu.dot_dimension_numbers<[1], [0], [0], [1], [0, 0, 1, 1], [], []>, transpose_lhs_hint = false} : vector<2048x128xf32>, vector<128x128xf32>, vector<2048x128xf32> -> vector<2048x128xf32>
    %get3A_41 = arith.constant 0 : index
    %get3A_42 = arith.constant 0 : index
    %get3A_43 = vector.load %arg7[%get3A_41, %get3A_42] : memref<16x128xf32, #tpu.memory_space<vmem>>, vector<16x128xf32>
    %dot_general3A_44 = arith.constant dense<0.000000e+00> : vector<2048x128xf32>
    %dot_general3A_45 = tpu.matmul %reshape3A, %get3A_43, %dot_general3A_44 {dimension_numbers = #tpu.dot_dimension_numbers<[0], [0], [1], [1], [0, 1, 1, 1], [], []>, transpose_lhs_hint = false} : vector<16x2048xf32>, vector<16x128xf32>, vector<2048x128xf32> -> vector<2048x128xf32>
    %add3A_46 = arith.addf %dot_general3A_40, %dot_general3A_45 : vector<2048x128xf32>
    %get3A_47 = arith.constant 0 : index
    %get3A_48 = arith.constant 0 : index
    %get3A_49 = vector.load %arg8[%get3A_47, %get3A_48] : memref<1x128xf32, #tpu.memory_space<vmem>>, vector<1x128xf32>
    %add3A_50 = vector.broadcast %get3A_49 : vector<1x128xf32> to vector<2048x128xf32>
    %add3A_51 = arith.addf %add3A_46, %add3A_50 : vector<2048x128xf32>
    %max3A_52 = arith.constant 0.000000e+00 : f32
    %max3A_53 = vector.broadcast %max3A_52 : f32 to vector<2048x128xf32>
    %max3A_54 = arith.maximumf %add3A_51, %max3A_53 : vector<2048x128xf32>
    %get3A_55 = arith.constant 0 : index
    %get3A_56 = arith.constant 0 : index
    %get3A_57 = vector.load %arg9[%get3A_55, %get3A_56] : memref<128x128xf32, #tpu.memory_space<vmem>>, vector<128x128xf32>
    %dot_general3A_58 = arith.constant dense<0.000000e+00> : vector<2048x128xf32>
    %dot_general3A_59 = tpu.matmul %max3A_54, %get3A_57, %dot_general3A_58 {dimension_numbers = #tpu.dot_dimension_numbers<[1], [0], [0], [1], [0, 0, 1, 1], [], []>, transpose_lhs_hint = false} : vector<2048x128xf32>, vector<128x128xf32>, vector<2048x128xf32> -> vector<2048x128xf32>
    %get3A_60 = arith.constant 0 : index
    %get3A_61 = arith.constant 0 : index
    %get3A_62 = vector.load %arg10[%get3A_60, %get3A_61] : memref<1x128xf32, #tpu.memory_space<vmem>>, vector<1x128xf32>
    %add3A_63 = vector.broadcast %get3A_62 : vector<1x128xf32> to vector<2048x128xf32>
    %add3A_64 = arith.addf %dot_general3A_59, %add3A_63 : vector<2048x128xf32>
    %max3A_65 = arith.constant 0.000000e+00 : f32
    %max3A_66 = vector.broadcast %max3A_65 : f32 to vector<2048x128xf32>
    %max3A_67 = arith.maximumf %add3A_64, %max3A_66 : vector<2048x128xf32>
    %swap3A = arith.constant 0 : index
    %swap3A_68 = arith.constant 0 : index
    %swap3A_69 = vector.load %arg11[%swap3A, %swap3A_68] : memref<2048x128xf32, #tpu.memory_space<vmem>>, vector<2048x128xf32>
    tpu.vector_store %arg11[%swap3A, %swap3A_68], %max3A_67 {strides = array<i32>} : memref<2048x128xf32, #tpu.memory_space<vmem>>, vector<2048x128xf32>,
    return
  }
  func.func @transform_0(%arg0: i32) -> (i32, i32) {
    %c0_i32 = arith.constant 0 : i32
    %c0_i32_0 = arith.constant 0 : i32
    return %arg0, %c0_i32 : i32, i32
  }
  func.func @transform_1(%arg0: i32) -> (i32, i32, i32, i32, i32) {
    %c0_i32 = arith.constant 0 : i32
    %c0_i32_0 = arith.constant 0 : i32
    %c0_i32_1 = arith.constant 0 : i32
    %c0_i32_2 = arith.constant 0 : i32
    %c0_i32_3 = arith.constant 0 : i32
    return %c0_i32, %c0_i32_0, %c0_i32_1, %arg0, %c0_i32_2 : i32, i32, i32, i32, i32
  }
  func.func @transform_2(%arg0: i32) -> (i32, i32) {
    %c0_i32 = arith.constant 0 : i32
    %c0_i32_0 = arith.constant 0 : i32
    %c0_i32_1 = arith.constant 0 : i32
    return %c0_i32, %c0_i32_0 : i32, i32
  }
  func.func @transform_3(%arg0: i32) -> (i32, i32) {
    %c0_i32 = arith.constant 0 : i32
    %c0_i32_0 = arith.constant 0 : i32
    %c0_i32_1 = arith.constant 0 : i32
    return %c0_i32, %c0_i32_0 : i32, i32
  }
  func.func @transform_4(%arg0: i32) -> (i32, i32) {
    %c0_i32 = arith.constant 0 : i32
    %c0_i32_0 = arith.constant 0 : i32
    %c0_i32_1 = arith.constant 0 : i32
    return %c0_i32, %c0_i32_0 : i32, i32
  }
  func.func @transform_5(%arg0: i32) -> (i32, i32) {
    %c0_i32 = arith.constant 0 : i32
    %c0_i32_0 = arith.constant 0 : i32
    %c0_i32_1 = arith.constant 0 : i32
    return %c0_i32, %c0_i32_0 : i32, i32
  }
  func.func @transform_6(%arg0: i32) -> (i32, i32) {
    %c0_i32 = arith.constant 0 : i32
    %c0_i32_0 = arith.constant 0 : i32
    %c0_i32_1 = arith.constant 0 : i32
    return %c0_i32, %c0_i32_0 : i32, i32
  }
  func.func @transform_7(%arg0: i32) -> (i32, i32) {
    %c0_i32 = arith.constant 0 : i32
    %c0_i32_0 = arith.constant 0 : i32
    %c0_i32_1 = arith.constant 0 : i32
    return %c0_i32, %c0_i32_0 : i32, i32
  }
  func.func @transform_8(%arg0: i32) -> (i32, i32) {
    %c0_i32 = arith.constant 0 : i32
    %c0_i32_0 = arith.constant 0 : i32
    %c0_i32_1 = arith.constant 0 : i32
    return %c0_i32, %c0_i32_0 : i32, i32
  }
  func.func @transform_9(%arg0: i32) -> (i32, i32) {
    %c0_i32 = arith.constant 0 : i32
    %c0_i32_0 = arith.constant 0 : i32
    %c0_i32_1 = arith.constant 0 : i32
    return %c0_i32, %c0_i32_0 : i32, i32
  }
  func.func @transform_10(%arg0: i32) -> (i32, i32) {
    %c0_i32 = arith.constant 0 : i32
    %c0_i32_0 = arith.constant 0 : i32
    return %arg0, %c0_i32 : i32, i32
  }
}

module attributes {stable_mosaic.version = 14 : i64} {
  func.func @_pre_body(%arg0: i32, %arg1: memref<2048x128xf32, #tpu.memory_space<vmem>>, %arg2: memref<128x128xf32, #tpu.memory_space<vmem>>, %arg3: memref<1x128xf32, #tpu.memory_space<vmem>>, %arg4: memref<2048x128xf32, #tpu.memory_space<vmem>>) attributes {dimension_semantics = [#tpu.dimension_semantics<arbitrary>], iteration_bounds = array<i64: 5>, scalar_prefetch = 0 : i64, scratch_operands = 0 : i64, tpu.core_type = #tpu.core_type<tc>, window_params = [{transform_indices = @transform_0, window_bounds = array<i64: 2048, 128>}, {pipeline_mode = #tpu.pipeline_mode<synchronous>, transform_indices = @transform_1, window_bounds = array<i64: 128, 128>}, {pipeline_mode = #tpu.pipeline_mode<synchronous>, transform_indices = @transform_2, window_bounds = array<i64: 1, 128>}, {transform_indices = @transform_3, window_bounds = array<i64: 2048, 128>}]} {
    %get3A = arith.constant 0 : index
    %get3A_0 = arith.constant 0 : index
    %get3A_1 = vector.load %arg1[%get3A, %get3A_0] : memref<2048x128xf32, #tpu.memory_space<vmem>>, vector<2048x128xf32>
    %get3A_2 = arith.constant 0 : index
    %get3A_3 = arith.constant 0 : index
    %get3A_4 = vector.load %arg2[%get3A_2, %get3A_3] : memref<128x128xf32, #tpu.memory_space<vmem>>, vector<128x128xf32>
    %dot_general3A = arith.constant dense<0.000000e+00> : vector<2048x128xf32>
    %dot_general3A_5 = tpu.matmul %get3A_1, %get3A_4, %dot_general3A {dimension_numbers = #tpu.dot_dimension_numbers<[1], [0], [0], [1], [0, 0, 1, 1], [], []>, transpose_lhs_hint = false} : vector<2048x128xf32>, vector<128x128xf32>, vector<2048x128xf32> -> vector<2048x128xf32>
    %get3A_6 = arith.constant 0 : index
    %get3A_7 = arith.constant 0 : index
    %get3A_8 = vector.load %arg3[%get3A_6, %get3A_7] : memref<1x128xf32, #tpu.memory_space<vmem>>, vector<1x128xf32>
    %add3A = vector.broadcast %get3A_8 : vector<1x128xf32> to vector<2048x128xf32>
    %add3A_9 = arith.addf %dot_general3A_5, %add3A : vector<2048x128xf32>
    %swap3A = arith.constant 0 : index
    %swap3A_10 = arith.constant 0 : index
    %swap3A_11 = vector.load %arg4[%swap3A, %swap3A_10] : memref<2048x128xf32, #tpu.memory_space<vmem>>, vector<2048x128xf32>
    tpu.vector_store %arg4[%swap3A, %swap3A_10], %add3A_9 {strides = array<i32>} : memref<2048x128xf32, #tpu.memory_space<vmem>>, vector<2048x128xf32>,
    return
  }
  func.func @transform_0(%arg0: i32) -> (i32, i32) {
    %c0_i32 = arith.constant 0 : i32
    %c0_i32_0 = arith.constant 0 : i32
    return %arg0, %c0_i32 : i32, i32
  }
  func.func @transform_1(%arg0: i32) -> (i32, i32) {
    %c0_i32 = arith.constant 0 : i32
    %c0_i32_0 = arith.constant 0 : i32
    %c0_i32_1 = arith.constant 0 : i32
    return %c0_i32, %c0_i32_0 : i32, i32
  }
  func.func @transform_2(%arg0: i32) -> (i32, i32) {
    %c0_i32 = arith.constant 0 : i32
    %c0_i32_0 = arith.constant 0 : i32
    %c0_i32_1 = arith.constant 0 : i32
    return %c0_i32, %c0_i32_0 : i32, i32
  }
  func.func @transform_3(%arg0: i32) -> (i32, i32) {
    %c0_i32 = arith.constant 0 : i32
    %c0_i32_0 = arith.constant 0 : i32
    return %arg0, %c0_i32 : i32, i32
  }
}

</mosaic_0001>

<sc_bundles>
// kernel: kernel.5.cloned.1.call-start
scs
__scs_entry_jumppad:
0x0: {  	(pc) =	sbr.rel $0x88, $3  }
0x1: {  	(tag) =	ssettag $0x0;
	lr =	simm.s32 $0x1  }
0x2: {  	[smem:$0x3F96] =	sst lr;
	_ =	strace $0xD0000000  }
0x3: {  	_ = 	snop  }
0x4: {  	_ = 	snop  }
0x5: {  	_ = 	snop  }
0x6: {  	_ = 	snop  }
0x7: {  	_ = 	snop  }
__scs_overlays_trampoline_lowered:
0x8: {  	[smem:$0x3FA5] =	sst s0  }
0x9: {  	[smem:$0x3FA6] =	sst s1  }
0xa: {  	[smem:$0x3FA7] =	sst s2  }
0xb: {  	[smem:$0x3FA8] =	sst s3  }
0xc: {  	[smem:$0x3FA9] =	sst s4  }
0xd: {  	[smem:$0x3FAA] =	sst s5  }
0xe: {  	[smem:$0x3FAB] =	sst s6  }
0xf: {  	[smem:$0x3FAC] =	sst s7  }
0x10: {  	[smem:$0x3FAD] =	sst s8  }
0x11: {  	[smem:$0x3FAE] =	sst s9;
	s0 =	simm.s32 @!p0 $0x0  }
0x12: {  	s1 =	sld [smem:$0x3F94];
	s0 =	simm.s32 @p0 $0x1  }
0x13: {  	[smem:$0x3FAF] =	sst s0;
	s0 =	simm.s32 @!p1 $0x0  }
0x14: {  	s2 =	sld [smem:$0x3F93];
	s0 =	simm.s32 @p1 $0x1  }
0x15: {  	[smem:$0x3FB0] =	sst s0;
	s0 =	simm.s32 @!p2 $0x0  }
0x16: {  	s3 =	sld [smem:$0x3FDB];
	s0 =	simm.s32 @p2 $0x1  }
0x17: {  	s4 =	simm.s32 $0x1BF5;
	[smem:$0x3FB2] =	sst s0  }
0x18: {  	s0 =	sld [smem:$0x3F95];
	_ =	swait.ge [sflag:s4], $0x0  }
0x19: {  	s7 =	sld [smem:$0x3F96]  }
0x1a: {  	s8 =	sadd.s32 $0xFFFFE003, lr  }
0x1b: {  	s9 =	sadd.s32 $0xFFFFFEF7, lr;
	s5 =	simm.s32 $0xFFFFFFFF;
	p2 =	slt.u32 s8, $0xFFFFF086  }
0x1c: {  	p1 =	slt.u32 s9, $0xF7A;
	s5 =	simm.s32 @!p2 $0x0  }
0x1d: {  	s5 =	simm.s32 @p1 $0x1;
	p0 =	seq.s32 s7, s2  }
0x1e: {  	s7 =	smul.u32 @!p0 $0xF7A, s2;
	p2 =	seq.s32 @!p0 s5, $0x0  }
0x1f: {  	s9 =	smul.u32 $0xF7A, s1;
	s8 =	simm.s32 @!p0 $0x1BF5;
	p2 =	por !p2, p0  }
0x20: {  	[sflag:s8] =	ssyncset.s32 @!p0 $0xFFFFF086;
	s6 =	sadd.s32 @!p0 s3, s7;
	s7 =	simm.s32 @!p0 $0x108  }
0x21: {  	s3 =	sadd.s32 s3, s9;
	s6 =	sadd.s32 @!p0 $0x88, s6;
	s7 =	simm.s32 @p2 $0x1082  }
0x22: {  	[simem:s7], [sflag:s8] =	dma.local @!p0 [hbm:s6], $0xF7A  }
0x23: {  	s9 =	sor.u32 $0xD0000000, s2;
	s6 =	simm.s32 $0x108;
	_ =	swait.ge @!p0 [sflag:s8], $0x0  }
0x24: {  	s3 =	sadd.s32 $0x88, s3;
	s6 =	simm.s32 @!p1 $0x1082;
	[sflag:s4] =	ssyncset.s32 $0xFFFFF086  }
0x25: {  	[simem:s6], [sflag:s4] =	dma.local [hbm:s3], $0xF7A  }
0x26: {  	[smem:$0x3F96] =	sst s1;
	(tag) =	ssettag s2;
	_ =	strace s9  }
0x27: {  	s1 =	sld [smem:$0x3FA6]  }
0x28: {  	s2 =	sld [smem:$0x3FA7]  }
0x29: {  	s4 =	sld [smem:$0x3FA9]  }
0x2a: {  	p0 =	seq.s32 s5, $0x0;
	s5 =	sld [smem:$0x3FAA]  }
0x2b: {  	s6 =	sld [smem:$0x3FAB]  }
0x2c: {  	s7 =	sld [smem:$0x3FAC]  }
0x2d: {  	s3 =	simm.s32 $0x108;
	s8 =	sld [smem:$0x3FAD]  }
0x2e: {  	s3 =	simm.s32 @!p0 $0x1082;
	s9 =	sld [smem:$0x3FAE]  }
0x2f: {  	lr =	sadd.s32 s0, s3;
	s0 =	sld [smem:$0x3FA5]  }
0x30: {  	s3 =	sld [smem:$0x3FA8]  }
0x31: {  	[smem:$0x3FB1] =	sst s10  }
0x32: {  	s10 =	sld [smem:$0x3FAF];
	_ =	sdelay $0x3  }
0x33: {  	p0 =	seq.s32 s10, $0x1;
	s10 =	sld [smem:$0x3FB1];
	_ =	sdelay $0x3  }
0x34: {  	[smem:$0x3FB1] =	sst s10  }
0x35: {  	s10 =	sld [smem:$0x3FB0];
	_ =	sdelay $0x3  }
0x36: {  	p1 =	seq.s32 s10, $0x1;
	s10 =	sld [smem:$0x3FB1];
	_ =	sdelay $0x3  }
0x37: {  	[smem:$0x3FB1] =	sst s10  }
0x38: {  	s10 =	sld [smem:$0x3FB2]  }
0x39: {  	_ = 	snop;
	(pc) =	sbr.ind lr, $3  }
0x3a: {  	_ = 	snop  }
0x3b: {  	_ = 	snop  }
0x3c: {  	p2 =	seq.s32 s10, $0x1;
	s10 =	sld [smem:$0x3FB1]  }
0x3d: {  	_ =	shalt  }
0x3e: {  	_ =	shalt  }
0x3f: {  	_ =	shalt  }
0x40: {  	_ =	shalt  }
0x41: {  	_ =	shalt  }
0x42: {  	_ =	shalt  }
0x43: {  	_ =	shalt  }
0x44: {  	_ =	shalt  }
0x45: {  	_ =	shalt  }
0x46: {  	_ =	shalt  }
0x47: {  	_ =	shalt  }
0x48: {  	_ =	shalt  }
0x49: {  	_ =	shalt  }
0x4a: {  	_ =	shalt  }
0x4b: {  	_ =	shalt  }
0x4c: {  	_ =	shalt  }
0x4d: {  	_ =	shalt  }
0x4e: {  	_ =	shalt  }
0x4f: {  	_ =	shalt  }
0x50: {  	_ =	shalt  }
0x51: {  	_ =	shalt  }
0x52: {  	_ =	shalt  }
0x53: {  	_ =	shalt  }
0x54: {  	_ =	shalt  }
0x55: {  	_ =	shalt  }
0x56: {  	_ =	shalt  }
0x57: {  	_ =	shalt  }
0x58: {  	_ =	shalt  }
0x59: {  	_ =	shalt  }
0x5a: {  	_ =	shalt  }
0x5b: {  	_ =	shalt  }
0x5c: {  	_ =	shalt  }
0x5d: {  	_ =	shalt  }
0x5e: {  	_ =	shalt  }
0x5f: {  	_ =	shalt  }
0x60: {  	_ =	shalt  }
0x61: {  	_ =	shalt  }
0x62: {  	_ =	shalt  }
0x63: {  	_ =	shalt  }
0x64: {  	_ =	shalt  }
0x65: {  	_ =	shalt  }
0x66: {  	_ =	shalt  }
0x67: {  	_ =	shalt  }
0x68: {  	_ =	shalt  }
0x69: {  	_ =	shalt  }
0x6a: {  	_ =	shalt  }
0x6b: {  	_ =	shalt  }
0x6c: {  	_ =	shalt  }
0x6d: {  	_ =	shalt  }
0x6e: {  	_ =	shalt  }
0x6f: {  	_ =	shalt  }
0x70: {  	_ =	shalt  }
0x71: {  	_ =	shalt  }
0x72: {  	_ =	shalt  }
0x73: {  	_ =	shalt  }
0x74: {  	_ =	shalt  }
0x75: {  	_ =	shalt  }
0x76: {  	_ =	shalt  }
0x77: {  	_ =	shalt  }
0x78: {  	_ =	shalt  }
0x79: {  	_ =	shalt  }
0x7a: {  	_ =	shalt  }
0x7b: {  	_ =	shalt  }
0x7c: {  	_ =	shalt  }
0x7d: {  	_ =	shalt  }
0x7e: {  	_ =	shalt  }
0x7f: {  	_ =	shalt  }
0x80: {  	_ =	shalt  }
0x81: {  	_ =	shalt  }
0x82: {  	_ =	shalt  }
0x83: {  	_ =	shalt  }
0x84: {  	_ =	shalt  }
0x85: {  	_ =	shalt  }
0x86: {  	_ =	shalt  }
0x87: {  	_ =	shalt  }
.Lfunc_end0:
.L_simem_size_0:
called_computation_lowered:
.L_overlay_start_0:
0x88: {  	s2 =	sld [smem:$0x3FD9]  }
0x89: {  	s3 =	sld [smem:$0x3FFE];
	_ =	sdelay $0x1  }
0x8a: {  	s1 =	srdreg.scid  }
0x8b: {  	s0 =	sand.u32 $0x1, s1  }
0x8c: {  	s18 =	sshll.u32 s0, $0xA;
	s2 =	sadd.s32 s3, s2  }
0x8d: {  	s2 =	sadd.s32 s2, s18  }
0x8e: {  	[smem:$0x3FBD] =	sst s2  }
0x8f: {  	_ = 	snop  }
0x90: {  	s2 =	sld [smem:$0x3FC8]  }
0x91: {  	s19 =	sld [smem:$0x3FC7]  }
0x92: {  	s4 =	sld [smem:$0x3FD0];
	(tm) =	ssettm $0x1  }
0x93: {  	s5 =	sld [smem:$0x3FFB];
	_ =	sdelay $0x3  }
0x94: {  	_ =	strace s5  }
0x95: {  	s5 =	sld [smem:$0x3FFC];
	_ =	sdelay $0x3  }
0x96: {  	_ =	strace s5  }
0x97: {  	s5 =	sld [smem:$0x3FFD];
	_ =	sdelay $0x3  }
0x98: {  	_ =	strace s5  }
0x99: {  	_ =	strace $0x8FFFFFFF  }
0x9a: {  	s20 =	sld [smem:$0x3FDB];
	_ =	sdelay $0x1  }
0x9b: {  	s6 =	simm.s32 $_scs_section_size  }
0x9c: {  	s7 =	simm.s32 $_size__tile_overlayer_lowered;
	s8 =	simm.s32 $_tile_overlayer_lowered  }
0x9d: {  	s23 =	simm.s32 $0x1BFF;
	s22 =	sshll.u32 s8, $0x1;
	s5 =	sadd.s32 s6, s20  }
0x9e: {  	s9 =	simm.s32 $0x0;
	s21 =	sshll.u32 s7, $0x1;
	s7 =	sadd.s32 s22, s5  }
0x9f: {  	[timem:s9], [sflag:s23] =	dma.local [hbm:s7], s21  }
0xa0: {  	_ =	swait.ge [sflag:s23], s21  }
0xa1: {  	s6 =	ssub.s32 $0x0, s21;
	[sflag:s23] =	ssyncset.done $0x0  }
0xa2: {  	[sflag:s23] =	ssyncadd.s32 s6;
	_ =	sdelay $0x1  }
0xa3: {  	s24 =	simm.s32 $0x1B8B  }
0xa4: {  	_ =	swait.ge [sflag:s24], $0x1  }
0xa5: {  	[sflag:s24] =	ssyncset.done $0x0  }
0xa6: {  	s25 =	simm.s32 $0x1B8E;
	[sflag:s24] =	ssyncadd.s32 $0xFFFFFFFF  }
0xa7: {  	s26 =	simm.s32 $execute0_lowered;
	[smem:$0x3FD2] =	sst s25  }
0xa8: {  	s6 =	sshll.u32 s26, $0x1;
	_ =	strace $0x80000046;
	[dreg:$0x1] =	wrdreg $0xFFFFFFFF  }
0xa9: {  	s28 =	simm.s32 $_size_execute0_lowered;
	s5 =	sadd.s32 s5, s6;
	[dreg:$0x0] =	wrdreg $0x0  }
0xaa: {  	s6 =	sshll.u32 s28, $0x1;
	[dreg:$0x2] =	wrdreg s5  }
0xab: {  	[dreg:$0x3] =	wrdreg s6  }
0xac: {  	[dreg:$0x4] =	wrdreg $0xC0  }
0xad: {  	_ =	task [dreg:s9], $0x5FFFF  }
0xae: {  	[dreg:$0x1] =	wrdreg $0xFFFFFFFF  }
0xaf: {  	[dreg:$0x0] =	wrdreg $0x60  }
0xb0: {  	[dreg:$0x2] =	wrdreg s2  }
0xb1: {  	[dreg:$0x3] =	wrdreg s19  }
0xb2: {  	[dreg:$0x4] =	wrdreg s4  }
0xb3: {  	[dreg:$0x5] =	wrdreg $0x9  }
0xb4: {  	_ =	task.clear_ibuf [dreg:s9], $0x6FFFF;
	_ =	strace $0x90000046  }
0xb5: {  	s29 =	simm.s32 $0x9;
	_ =	strace $0x80000048  }
0xb6: {  	_ =	swait.ge [sflag:s29], $0x1  }
0xb7: {  	[sflag:s29] =	ssyncadd.s32 $0xFFFFFFFF  }
0xb8: {  	_ =	strace $0x90000048  }
0xb9: {  	_ =	sfence  }
0xba: {  	s30 =	sld [smem:$0x0];
	_ =	sdelay $0x2  }
0xbb: {  	s31 =	sshll.u32 s1, $0xD;
	s1 =	sshrl.u32 s1, $0x2  }
0xbc: {  	s3 =	sand.u32 $0x4000, s31;
	s1 =	sadd.s32 s1, s30  }
0xbd: {  	s0 =	sor.u32 s3, s0;
	s1 =	sshll.u32 s1, $0x11  }
0xbe: {  	s0 =	sor.u32 s1, s0  }
0xbf: {  	s0 =	sadd.s32 $0x8F2B, s0  }
0xc0: {  	[sflag:s0] =	ssyncadd.remote.s32 $0x1  }
0xc1: {  	_ =	sfence.sel $0xFFFF  }
0xc2: {  	[dreg:$0x0] =	wrdreg $0xFFFFFFFF;
	(pc) =	sbr.abs _section_cstart, $3  }
0xc3: {  	[dreg:$0x1] =	wrdreg $0xFFFFFFFF  }
0xc4: {  	_ =	task.clear_ibuf [dreg:s9], $0x2FFFF;
	_ =	strace $0x9FFFFFFF  }
0xc5: {  	(tm) =	ssettm $0x7FFFFFFF  }
tec
execute0_lowered:
.L_overlay_start_1:
0x0: {  	(tag) =	ssettag $0x1  }
0x1: {  	s0 =	srdreg.scid  }
0x2: {  	s7 =	stileid.u32;
	s2 =	simm.s32 $0x1;
	s3 =	sand.u32 $0x1, s0  }
0x3: {  	s4 =	rddreg [dreg:$0x1];
	s28 =	simm.s32 $0x2800;
	s0 =	sshll.u32 s3, $0x4  }
0x4: {  	s29 =	simm.s32 $0x5;
	s10 =	sand.u32 $0x7, s7;
	s1 =	sor.u32 s7, s0  }
0x5: {  	s30 =	simm.s32 $0x0;
	p0 =	sne.s32 s10, $0x0;
	p1 =	seq.s32 s1, $0x0  }
0x6: {  	s16 =	sshll.u32 s7, $0x8;
	s14 =	sshrl.u32 s10, $0x2;
	p0 =	por !p0, !p1  }
0x7: {  	s3 =	ssub.s32 $0x2, s3;
	s0 =	rddreg [dreg:$0x0];
	p0 =	por !p0, !p0  }
0x8: {  	s13 =	smul.u32 $0x271000, s14;
	s5 =	sshrl.u32 s1, $0x3;
	s2 =	simm.s32 @!p0 $0x0  }
0x9: {  	s15 =	sshrl.u32 s3, $0x1;
	s14 =	sand.u32 $0x300, s16;
	s11 =	ssub.s32 s5, s2  }
0xa: {  	s16 =	sadd.s32 $0x10, s4;
	s1 =	rddreg [dreg:$0x2];
	s12 =	smul.u32 $0x271, s11  }
0xb: {  	s15 =	ssub.s32 s3, s15;
	s2 =	simm.s32 $0x0;
	s6 =	smul.u32 $0x9C400, s11  }
0xc: {  	s3 =	simm.s32 $0x1;
	[smem:$0x7FF] =	sst s2;
	s20 =	smul.u32 $0x27100, s11  }
0xd: {  	s15 =	smax.u32 s15, $0x1;
	s23 =	smul.u32 $0x28000, s11;
	_ =	strace $0x80000047  }
0xe: {  	s17 =	sadd.s32 s13, s6;
	s18 =	sadd.s32 $0x7D, s12;
	s6 =	sshrl.u32 s20, $0x3  }
0xf: {  	s22 =	sadd.s32 $0xFA, s12;
	s20 =	smul.u32 $0x5000, s10;
	s19 =	sor.u32 s14, s17  }
0x10: {  	s8 =	sshll.u32 s18, $0xA;
	s7 =	sshll.u32 s18, $0x5;
	s9 =	sshll.u32 s22, $0xA  }
0x11: {  	s17 =	sadd.s32 $0x177, s12;
	s12 =	sadd.s32 $0x1F4, s12;
	s5 =	sshrl.u32 s19, $0x3  }
0x12: {  	s8 =	sadd.s32 s13, s8;
	s7 =	sand.u32 $0x1FFFFFE0, s7;
	s9 =	sadd.s32 s13, s9  }
0x13: {  	s18 =	sshll.u32 s17, $0xA;
	s17 =	sshll.u32 s17, $0x5;
	s25 =	sshll.u32 s12, $0xA  }
0x14: {  	s12 =	sshll.u32 s12, $0x5;
	s26 =	sadd.s32 s20, s23;
	s20 =	simm.s32 $0x14820  }
0x15: {  	s23 =	simm.s32 $0x186A0;
	s8 =	sor.u32 s14, s8;
	s4 =	sadd.s32 s0, s5  }
0x16: {  	s5 =	sadd.s32 s6, s16;
	s7 =	sadd.s32 s7, s16;
	s9 =	sor.u32 s14, s9  }
0x17: {  	s18 =	sadd.s32 s13, s18;
	s24 =	sand.u32 $0x1FFFFFE0, s17;
	s13 =	sadd.s32 s13, s25  }
0x18: {  	s31 =	sand.u32 $0x1FFFFFE0, s12;
	s17 =	simm.s32 $0x400;
	s25 =	simm.s32 $0x2  }
0x19: {  	s21 =	sshrl.u32 s8, $0x3;
	s8 =	sshll.u32 s22, $0x5;
	s9 =	sshrl.u32 s9, $0x3  }
0x1a: {  	s18 =	sor.u32 s14, s18;
	s11 =	sadd.s32 s24, s16;
	s13 =	sor.u32 s14, s13  }
0x1b: {  	s14 =	sshrl.u32 s26, $0x3;
	s22 =	simm.s32 $0xCB20;
	s24 =	simm.s32 $0x2710  }
0x1c: {  	s26 =	simm.s32 $0x4;
	s6 =	sadd.s32 s0, s21;
	s19 =	sand.u32 $0x1FFFFFE0, s8  }
0x1d: {  	s8 =	sadd.s32 s0, s9;
	s18 =	sshrl.u32 s18, $0x3;
	s13 =	sshrl.u32 s13, $0x3  }
0x1e: {  	s14 =	sadd.s32 s1, s14;
	s21 =	simm.s32 $0x3;
	s9 =	sadd.s32 s19, s16  }
0x1f: {  	s10 =	sadd.s32 s0, s18;
	s12 =	sadd.s32 s0, s13;
	s13 =	sadd.s32 s31, s16  }
0x20: {  	v0 =	vimm.f32 $0.0e+00;
	s16 =	simm.s32 $0x100;
	s18 =	simm.s32 $0x4E20;
	s19 =	simm.s32 $0x80  }
.LBB2_1:
0x21: {  	[tilespmem:s18], [sflag:$0x1] =	stream.strided.gather [hbm4b:s4+s16], $0x7D00, s17, s16, $0x38;
	[tilespmem:$0x1C520] =	vst v63  }
0x22: {  	s0 =	simm.s32 $0x2740  }
0x23: {  	[tilespmem:s20], [sflag:$0x3] =	stream.strided.gather [hbm4b:s5+s19], $0x3E80, s16, s19, $0x38;
	[tilespmem:$0x1C520] =	vst v63  }
0x24: {  	[tilespmem:s0+$0xFFFFD8C0] =	vst v0  }
0x25: {  	[tilespmem:s0+$0x0] =	vst v0  }
0x26: {  	[tilespmem:s0+$0xFFFFD8F0] =	vst v0  }
0x27: {  	[tilespmem:s0+$0xFFFFFFF0] =	vst v0  }
0x28: {  	[tilespmem:s0+$0xFFFFD8E0] =	vst v0  }
0x29: {  	[tilespmem:s0+$0xFFFFFFE0] =	vst v0  }
0x2a: {  	s1 =	simm.s32 $0x0;
	[tilespmem:s0+$0xFFFFD8D0] =	vst v0  }
.LBB2_2:
0x2b: {  	s1 =	sadd.s32 $0x4, s1;
	[tilespmem:s0+$0xFFFFFFD0] =	vst v0;
	s0 =	sadd.s32 $0x40, s0  }
0x2c: {  	[tilespmem:s0+$0xFFFFD8C0] =	vst v0;
	p0 =	slt.u32 s1, $0x26C  }
0x2d: {  	[tilespmem:s0+$0x0] =	vst v0  }
.Ltmp0:
0x2e: {  	[tilespmem:s0+$0xFFFFD8F0] =	vst v0;
	(pc) =	sbr.rel @p0 .LBB2_2-.Ltmp0, $4  }
0x2f: {  	[tilespmem:s0+$0xFFFFFFF0] =	vst v0  }
0x30: {  	[tilespmem:s0+$0xFFFFD8E0] =	vst v0  }
0x31: {  	[tilespmem:s0+$0xFFFFFFE0] =	vst v0  }
0x32: {  	[tilespmem:s0+$0xFFFFD8D0] =	vst v0  }
0x33: {  	[tilespmem:s0+$0xFFFFFFD0] =	vst v0  }
0x34: {  	[tilespmem:$0x2700] =	vst v0  }
0x35: {  	[tilespmem:$0x4E10] =	vst v0  }
0x36: {  	_ =	swait.ge [sflag:s3], $0x7D00  }
0x37: {  	[sflag:s3] =	ssyncset.done $0x0  }
0x38: {  	[sflag:s3] =	ssyncadd.s32 $0xFFFF8300  }
0x39: {  	_ =	swait.ge [sflag:s21], $0x3E80  }
0x3a: {  	[sflag:s21] =	ssyncset.done $0x0  }
0x3b: {  	[sflag:s21] =	ssyncadd.s32 $0xFFFFC180  }
0x3c: {  	[tilespmem:s22], [sflag:$0x2] =	stream.strided.gather [hbm4b:s6+s16], $0x7D00, s17, s16, $0x38;
	[tilespmem:$0x1C520] =	vst v63  }
0x3d: {  	s1 =	simm.s32 $0x14860  }
0x3e: {  	[tilespmem:s23], [sflag:$0x4] =	stream.strided.gather [hbm4b:s7+s19], $0x3E80, s16, s19, $0x38;
	[tilespmem:$0x1C520] =	vst v63  }
0x3f: {  	v1 =	vld [tilespmem:s1+$0x30]  }
0x40: {  	v2 =	vld [tilespmem:s1+$0xFFFFFFD0]  }
0x41: {  	s31 =	simm.s32 $0x4EA0;
	v3 =	vld [tilespmem:s1+$0xFFFFFFE0]  }
0x42: {  	v4 =	vld [tilespmem:s31+$0xFFFFFFF0]  }
0x43: {  	v5 =	vld [tilespmem:s1+$0xFFFFFFF0]  }
0x44: {  	v6 =	vld [tilespmem:s1+$0x0]  }
0x45: {  	v7 =	vld [tilespmem:s1+$0x10]  }
0x46: {  	v8 =	vld [tilespmem:s1+$0x20]  }
0x47: {  	v9 =	vld [tilespmem:s1+$0xFFFFFFC0]  }
0x48: {  	v10 =	vld [tilespmem:s31+$0xFFFFFF80]  }
0x49: {  	v11 =	vld [tilespmem:s31+$0xFFFFFF90]  }
0x4a: {  	v12 =	vld [tilespmem:s31+$0xFFFFFFA0]  }
0x4b: {  	v59 =	vld [tilespmem:s31+$0xFFFFFFC0]  }
0x4c: {  	v13 =	vld [tilespmem:s31+$0xFFFFFFD0]  }
0x4d: {  	v14 =	vld [tilespmem:s31+$0xFFFFFFE0]  }
0x4e: {  	[tilespmem:v1+s2+$0x0] =	vst.idx.add.f32.msk $0xffff, v4  }
0x4f: {  	[tilespmem:v9+s2+$0x0] =	vst.idx.add.f32.msk $0xffff, v10  }
0x50: {  	[tilespmem:v2+s2+$0x0] =	vst.idx.add.f32.msk $0xffff, v11  }
0x51: {  	[tilespmem:v3+s2+$0x0] =	vst.idx.add.f32.msk $0xffff, v12  }
0x52: {  	[tilespmem:v6+s2+$0x0] =	vst.idx.add.f32.msk $0xffff, v59  }
0x53: {  	[tilespmem:v7+s2+$0x0] =	vst.idx.add.f32.msk $0xffff, v13  }
0x54: {  	v4 =	vld [tilespmem:s31+$0x70]  }
0x55: {  	[tilespmem:v8+s2+$0x0] =	vst.idx.add.f32.msk $0xffff, v14  }
0x56: {  	v60 =	vld [tilespmem:s31+$0x10]  }
0x57: {  	v61 =	vld [tilespmem:s31+$0x20]  }
0x58: {  	v63 =	vld [tilespmem:s31+$0x40]  }
0x59: {  	[tilespmem:v1+s24+$0x0] =	vst.idx.add.f32.msk $0xffff, v4  }
0x5a: {  	v1 =	vld [tilespmem:s31+$0xFFFFFFB0]  }
0x5b: {  	v13 =	vld [tilespmem:s31+$0x50]  }
0x5c: {  	v14 =	vld [tilespmem:s31+$0x60]  }
0x5d: {  	[tilespmem:v2+s24+$0x0] =	vst.idx.add.f32.msk $0xffff, v60  }
0x5e: {  	[tilespmem:v3+s24+$0x0] =	vst.idx.add.f32.msk $0xffff, v61  }
0x5f: {  	[tilespmem:v5+s2+$0x0] =	vst.idx.add.f32.msk $0xffff, v1  }
0x60: {  	v1 =	vld [tilespmem:s31+$0x0]  }
0x61: {  	v62 =	vld [tilespmem:s31+$0x30]  }
0x62: {  	[tilespmem:v6+s24+$0x0] =	vst.idx.add.f32.msk $0xffff, v63  }
0x63: {  	[tilespmem:v7+s24+$0x0] =	vst.idx.add.f32.msk $0xffff, v13  }
0x64: {  	[tilespmem:v8+s24+$0x0] =	vst.idx.add.f32.msk $0xffff, v14  }
0x65: {  	[tilespmem:v9+s24+$0x0] =	vst.idx.add.f32.msk $0xffff, v1  }
0x66: {  	s0 =	simm.s32 $0x148E0;
	s1 =	simm.s32 $0x0;
	[tilespmem:v5+s24+$0x0] =	vst.idx.add.f32.msk $0xffff, v62  }
.LBB2_4:
0x67: {  	v1 =	vld [tilespmem:s0+$0x30];
	s1 =	sadd.s32 $0x8, s1  }
0x68: {  	v2 =	vld [tilespmem:s0+$0xFFFFFFD0];
	p0 =	slt.u32 s1, $0x3E0  }
0x69: {  	s31 =	sadd.s32 $0x100, s31;
	v3 =	vld [tilespmem:s0+$0xFFFFFFE0]  }
0x6a: {  	v4 =	vld [tilespmem:s31+$0xFFFFFFF0]  }
0x6b: {  	v5 =	vld [tilespmem:s0+$0xFFFFFFF0]  }
0x6c: {  	v6 =	vld [tilespmem:s0+$0x0]  }
0x6d: {  	v7 =	vld [tilespmem:s0+$0x10]  }
0x6e: {  	v8 =	vld [tilespmem:s0+$0x20]  }
0x6f: {  	[tilespmem:v1+s2+$0x0] =	vst.idx.add.f32.msk $0xffff, v4  }
0x70: {  	v4 =	vld [tilespmem:s31+$0x70]  }
0x71: {  	v9 =	vld [tilespmem:s0+$0xFFFFFFC0]  }
0x72: {  	v10 =	vld [tilespmem:s31+$0xFFFFFF80]  }
0x73: {  	v11 =	vld [tilespmem:s31+$0xFFFFFF90]  }
0x74: {  	v12 =	vld [tilespmem:s31+$0xFFFFFFA0]  }
0x75: {  	[tilespmem:v1+s24+$0x0] =	vst.idx.add.f32.msk $0xffff, v4  }
0x76: {  	v1 =	vld [tilespmem:s31+$0xFFFFFFB0]  }
0x77: {  	v4 =	vld [tilespmem:s31+$0xFFFFFFC0]  }
0x78: {  	v13 =	vld [tilespmem:s31+$0xFFFFFFD0]  }
0x79: {  	v14 =	vld [tilespmem:s31+$0xFFFFFFE0]  }
0x7a: {  	[tilespmem:v9+s2+$0x0] =	vst.idx.add.f32.msk $0xffff, v10  }
0x7b: {  	[tilespmem:v2+s2+$0x0] =	vst.idx.add.f32.msk $0xffff, v11  }
0x7c: {  	[tilespmem:v3+s2+$0x0] =	vst.idx.add.f32.msk $0xffff, v12  }
0x7d: {  	[tilespmem:v5+s2+$0x0] =	vst.idx.add.f32.msk $0xffff, v1  }
0x7e: {  	[tilespmem:v6+s2+$0x0] =	vst.idx.add.f32.msk $0xffff, v4  }
0x7f: {  	[tilespmem:v7+s2+$0x0] =	vst.idx.add.f32.msk $0xffff, v13  }
0x80: {  	[tilespmem:v8+s2+$0x0] =	vst.idx.add.f32.msk $0xffff, v14  }
0x81: {  	v1 =	vld [tilespmem:s31+$0x0]  }
0x82: {  	v4 =	vld [tilespmem:s31+$0x10]  }
0x83: {  	v10 =	vld [tilespmem:s31+$0x20]  }
0x84: {  	v11 =	vld [tilespmem:s31+$0x30]  }
0x85: {  	v12 =	vld [tilespmem:s31+$0x40]  }
0x86: {  	v13 =	vld [tilespmem:s31+$0x50]  }
0x87: {  	v14 =	vld [tilespmem:s31+$0x60]  }
0x88: {  	[tilespmem:v9+s24+$0x0] =	vst.idx.add.f32.msk $0xffff, v1  }
0x89: {  	[tilespmem:v2+s24+$0x0] =	vst.idx.add.f32.msk $0xffff, v4  }
.Ltmp1:
0x8a: {  	[tilespmem:v3+s24+$0x0] =	vst.idx.add.f32.msk $0xffff, v10;
	(pc) =	sbr.rel @p0 .LBB2_4-.Ltmp1, $4  }
0x8b: {  	[tilespmem:v5+s24+$0x0] =	vst.idx.add.f32.msk $0xffff, v11  }
0x8c: {  	[tilespmem:v6+s24+$0x0] =	vst.idx.add.f32.msk $0xffff, v12  }
0x8d: {  	[tilespmem:v7+s24+$0x0] =	vst.idx.add.f32.msk $0xffff, v13  }
0x8e: {  	s0 =	sadd.s32 $0x80, s0;
	[tilespmem:v8+s24+$0x0] =	vst.idx.add.f32.msk $0xffff, v14  }
0x8f: {  	_ =	swait.ge [sflag:s25], $0x7D00  }
0x90: {  	[sflag:s25] =	ssyncset.done $0x0  }
0x91: {  	[sflag:s25] =	ssyncadd.s32 $0xFFFF8300  }
0x92: {  	_ =	swait.ge [sflag:s26], $0x3E80  }
0x93: {  	[sflag:s26] =	ssyncset.done $0x0  }
0x94: {  	[sflag:s26] =	ssyncadd.s32 $0xFFFFC180  }
0x95: {  	[tilespmem:s18], [sflag:$0x1] =	stream.strided.gather [hbm4b:s8+s16], $0x7D00, s17, s16, $0x38;
	[tilespmem:$0x1C520] =	vst v63  }
0x96: {  	s0 =	simm.s32 $0x18710  }
0x97: {  	[tilespmem:s20], [sflag:$0x3] =	stream.strided.gather [hbm4b:s9+s19], $0x3E80, s16, s19, $0x38;
	[tilespmem:$0x1C520] =	vst v63  }
0x98: {  	v1 =	vld [tilespmem:s0+$0x0]  }
0x99: {  	v2 =	vld [tilespmem:s0+$0xFFFFFFA0]  }
0x9a: {  	s31 =	simm.s32 $0xCB20;
	v3 =	vld [tilespmem:s0+$0xFFFFFFB0]  }
0x9b: {  	v4 =	vld [tilespmem:s31+$0x70]  }
0x9c: {  	v5 =	vld [tilespmem:s0+$0xFFFFFFC0]  }
0x9d: {  	v6 =	vld [tilespmem:s0+$0xFFFFFFD0]  }
0x9e: {  	v7 =	vld [tilespmem:s0+$0xFFFFFFE0]  }
0x9f: {  	v8 =	vld [tilespmem:s0+$0xFFFFFFF0]  }
0xa0: {  	v9 =	vld [tilespmem:s0+$0xFFFFFF90]  }
0xa1: {  	v10 =	vld [tilespmem:s31+$0x0]  }
0xa2: {  	v11 =	vld [tilespmem:s31+$0x10]  }
0xa3: {  	v12 =	vld [tilespmem:s31+$0x20]  }
0xa4: {  	v59 =	vld [tilespmem:s31+$0x40]  }
0xa5: {  	v13 =	vld [tilespmem:s31+$0x50]  }
0xa6: {  	v14 =	vld [tilespmem:s31+$0x60]  }
0xa7: {  	[tilespmem:v1+s2+$0x0] =	vst.idx.add.f32.msk $0xffff, v4  }
0xa8: {  	[tilespmem:v9+s2+$0x0] =	vst.idx.add.f32.msk $0xffff, v10  }
0xa9: {  	[tilespmem:v2+s2+$0x0] =	vst.idx.add.f32.msk $0xffff, v11  }
0xaa: {  	[tilespmem:v3+s2+$0x0] =	vst.idx.add.f32.msk $0xffff, v12  }
0xab: {  	[tilespmem:v6+s2+$0x0] =	vst.idx.add.f32.msk $0xffff, v59  }
0xac: {  	[tilespmem:v7+s2+$0x0] =	vst.idx.add.f32.msk $0xffff, v13  }
0xad: {  	v4 =	vld [tilespmem:s31+$0xF0]  }
0xae: {  	[tilespmem:v8+s2+$0x0] =	vst.idx.add.f32.msk $0xffff, v14  }
0xaf: {  	v60 =	vld [tilespmem:s31+$0x90]  }
0xb0: {  	v61 =	vld [tilespmem:s31+$0xA0]  }
0xb1: {  	v63 =	vld [tilespmem:s31+$0xC0]  }
0xb2: {  	[tilespmem:v1+s24+$0x0] =	vst.idx.add.f32.msk $0xffff, v4  }
0xb3: {  	v1 =	vld [tilespmem:s31+$0x30]  }
0xb4: {  	v13 =	vld [tilespmem:s31+$0xD0]  }
0xb5: {  	v14 =	vld [tilespmem:s31+$0xE0]  }
0xb6: {  	[tilespmem:v2+s24+$0x0] =	vst.idx.add.f32.msk $0xffff, v60  }
0xb7: {  	[tilespmem:v3+s24+$0x0] =	vst.idx.add.f32.msk $0xffff, v61  }
0xb8: {  	[tilespmem:v5+s2+$0x0] =	vst.idx.add.f32.msk $0xffff, v1  }
0xb9: {  	v1 =	vld [tilespmem:s31+$0x80]  }
0xba: {  	v62 =	vld [tilespmem:s31+$0xB0]  }
0xbb: {  	[tilespmem:v6+s24+$0x0] =	vst.idx.add.f32.msk $0xffff, v63  }
0xbc: {  	[tilespmem:v7+s24+$0x0] =	vst.idx.add.f32.msk $0xffff, v13  }
0xbd: {  	[tilespmem:v8+s24+$0x0] =	vst.idx.add.f32.msk $0xffff, v14  }
0xbe: {  	[tilespmem:v9+s24+$0x0] =	vst.idx.add.f32.msk $0xffff, v1  }
0xbf: {  	s1 =	simm.s32 $0x0;
	s0 =	simm.s32 $0x18790;
	[tilespmem:v5+s24+$0x0] =	vst.idx.add.f32.msk $0xffff, v62  }
.LBB2_6:
0xc0: {  	v1 =	vld [tilespmem:s0+$0x0];
	s1 =	sadd.s32 $0x8, s1  }
0xc1: {  	v2 =	vld [tilespmem:s0+$0xFFFFFFA0];
	p0 =	slt.u32 s1, $0x3E0  }
0xc2: {  	s31 =	sadd.s32 $0x100, s31;
	v3 =	vld [tilespmem:s0+$0xFFFFFFB0]  }
0xc3: {  	v4 =	vld [tilespmem:s31+$0x70]  }
0xc4: {  	v5 =	vld [tilespmem:s0+$0xFFFFFFC0]  }
0xc5: {  	v6 =	vld [tilespmem:s0+$0xFFFFFFD0]  }
0xc6: {  	v7 =	vld [tilespmem:s0+$0xFFFFFFE0]  }
0xc7: {  	v8 =	vld [tilespmem:s0+$0xFFFFFFF0]  }
0xc8: {  	[tilespmem:v1+s2+$0x0] =	vst.idx.add.f32.msk $0xffff, v4  }
0xc9: {  	v4 =	vld [tilespmem:s31+$0xF0]  }
0xca: {  	v9 =	vld [tilespmem:s0+$0xFFFFFF90]  }
0xcb: {  	v10 =	vld [tilespmem:s31+$0x0]  }
0xcc: {  	v11 =	vld [tilespmem:s31+$0x10]  }
0xcd: {  	v12 =	vld [tilespmem:s31+$0x20]  }
0xce: {  	[tilespmem:v1+s24+$0x0] =	vst.idx.add.f32.msk $0xffff, v4  }
0xcf: {  	v1 =	vld [tilespmem:s31+$0x30]  }
0xd0: {  	v4 =	vld [tilespmem:s31+$0x40]  }
0xd1: {  	v13 =	vld [tilespmem:s31+$0x50]  }
0xd2: {  	v14 =	vld [tilespmem:s31+$0x60]  }
0xd3: {  	[tilespmem:v9+s2+$0x0] =	vst.idx.add.f32.msk $0xffff, v10  }
0xd4: {  	[tilespmem:v2+s2+$0x0] =	vst.idx.add.f32.msk $0xffff, v11  }
0xd5: {  	[tilespmem:v3+s2+$0x0] =	vst.idx.add.f32.msk $0xffff, v12  }
0xd6: {  	[tilespmem:v5+s2+$0x0] =	vst.idx.add.f32.msk $0xffff, v1  }
0xd7: {  	[tilespmem:v6+s2+$0x0] =	vst.idx.add.f32.msk $0xffff, v4  }
0xd8: {  	[tilespmem:v7+s2+$0x0] =	vst.idx.add.f32.msk $0xffff, v13  }
0xd9: {  	[tilespmem:v8+s2+$0x0] =	vst.idx.add.f32.msk $0xffff, v14  }
0xda: {  	v1 =	vld [tilespmem:s31+$0x80]  }
0xdb: {  	v4 =	vld [tilespmem:s31+$0x90]  }
0xdc: {  	v10 =	vld [tilespmem:s31+$0xA0]  }
0xdd: {  	v11 =	vld [tilespmem:s31+$0xB0]  }
0xde: {  	v12 =	vld [tilespmem:s31+$0xC0]  }
0xdf: {  	v13 =	vld [tilespmem:s31+$0xD0]  }
0xe0: {  	v14 =	vld [tilespmem:s31+$0xE0]  }
0xe1: {  	[tilespmem:v9+s24+$0x0] =	vst.idx.add.f32.msk $0xffff, v1  }
0xe2: {  	[tilespmem:v2+s24+$0x0] =	vst.idx.add.f32.msk $0xffff, v4  }
.Ltmp2:
0xe3: {  	[tilespmem:v3+s24+$0x0] =	vst.idx.add.f32.msk $0xffff, v10;
	(pc) =	sbr.rel @p0 .LBB2_6-.Ltmp2, $4  }
0xe4: {  	[tilespmem:v5+s24+$0x0] =	vst.idx.add.f32.msk $0xffff, v11  }
0xe5: {  	[tilespmem:v6+s24+$0x0] =	vst.idx.add.f32.msk $0xffff, v12  }
0xe6: {  	[tilespmem:v7+s24+$0x0] =	vst.idx.add.f32.msk $0xffff, v13  }
0xe7: {  	s0 =	sadd.s32 $0x80, s0;
	[tilespmem:v8+s24+$0x0] =	vst.idx.add.f32.msk $0xffff, v14  }
0xe8: {  	_ =	swait.ge [sflag:s3], $0x7D00  }
0xe9: {  	[sflag:s3] =	ssyncset.done $0x0  }
0xea: {  	[sflag:s3] =	ssyncadd.s32 $0xFFFF8300  }
0xeb: {  	_ =	swait.ge [sflag:s21], $0x3E80  }
0xec: {  	[sflag:s21] =	ssyncset.done $0x0  }
0xed: {  	[sflag:s21] =	ssyncadd.s32 $0xFFFFC180  }
0xee: {  	[tilespmem:s22], [sflag:$0x2] =	stream.strided.gather [hbm4b:s10+s16], $0x7D00, s17, s16, $0x38;
	[tilespmem:$0x1C520] =	vst v63  }
0xef: {  	s0 =	simm.s32 $0x14860  }
0xf0: {  	[tilespmem:s23], [sflag:$0x4] =	stream.strided.gather [hbm4b:s11+s19], $0x3E80, s16, s19, $0x38;
	[tilespmem:$0x1C520] =	vst v63  }
0xf1: {  	v1 =	vld [tilespmem:s0+$0x30]  }
0xf2: {  	v2 =	vld [tilespmem:s0+$0xFFFFFFD0]  }
0xf3: {  	s31 =	simm.s32 $0x4EA0;
	v3 =	vld [tilespmem:s0+$0xFFFFFFE0]  }
0xf4: {  	v4 =	vld [tilespmem:s31+$0xFFFFFFF0]  }
0xf5: {  	v5 =	vld [tilespmem:s0+$0xFFFFFFF0]  }
0xf6: {  	v6 =	vld [tilespmem:s0+$0x0]  }
0xf7: {  	v7 =	vld [tilespmem:s0+$0x10]  }
0xf8: {  	v8 =	vld [tilespmem:s0+$0x20]  }
0xf9: {  	v9 =	vld [tilespmem:s0+$0xFFFFFFC0]  }
0xfa: {  	v10 =	vld [tilespmem:s31+$0xFFFFFF80]  }
0xfb: {  	v11 =	vld [tilespmem:s31+$0xFFFFFF90]  }
0xfc: {  	v12 =	vld [tilespmem:s31+$0xFFFFFFA0]  }
0xfd: {  	v59 =	vld [tilespmem:s31+$0xFFFFFFC0]  }
0xfe: {  	v13 =	vld [tilespmem:s31+$0xFFFFFFD0]  }
0xff: {  	v14 =	vld [tilespmem:s31+$0xFFFFFFE0]  }
0x100: {  	[tilespmem:v1+s2+$0x0] =	vst.idx.add.f32.msk $0xffff, v4  }
0x101: {  	[tilespmem:v9+s2+$0x0] =	vst.idx.add.f32.msk $0xffff, v10  }
0x102: {  	[tilespmem:v2+s2+$0x0] =	vst.idx.add.f32.msk $0xffff, v11  }
0x103: {  	[tilespmem:v3+s2+$0x0] =	vst.idx.add.f32.msk $0xffff, v12  }
0x104: {  	[tilespmem:v6+s2+$0x0] =	vst.idx.add.f32.msk $0xffff, v59  }
0x105: {  	[tilespmem:v7+s2+$0x0] =	vst.idx.add.f32.msk $0xffff, v13  }
0x106: {  	v4 =	vld [tilespmem:s31+$0x70]  }
0x107: {  	[tilespmem:v8+s2+$0x0] =	vst.idx.add.f32.msk $0xffff, v14  }
0x108: {  	v60 =	vld [tilespmem:s31+$0x10]  }
0x109: {  	v61 =	vld [tilespmem:s31+$0x20]  }
0x10a: {  	v63 =	vld [tilespmem:s31+$0x40]  }
0x10b: {  	[tilespmem:v1+s24+$0x0] =	vst.idx.add.f32.msk $0xffff, v4  }
0x10c: {  	v1 =	vld [tilespmem:s31+$0xFFFFFFB0]  }
0x10d: {  	v13 =	vld [tilespmem:s31+$0x50]  }
0x10e: {  	v14 =	vld [tilespmem:s31+$0x60]  }
0x10f: {  	[tilespmem:v2+s24+$0x0] =	vst.idx.add.f32.msk $0xffff, v60  }
0x110: {  	[tilespmem:v3+s24+$0x0] =	vst.idx.add.f32.msk $0xffff, v61  }
0x111: {  	[tilespmem:v5+s2+$0x0] =	vst.idx.add.f32.msk $0xffff, v1  }
0x112: {  	v1 =	vld [tilespmem:s31+$0x0]  }
0x113: {  	v62 =	vld [tilespmem:s31+$0x30]  }
0x114: {  	[tilespmem:v6+s24+$0x0] =	vst.idx.add.f32.msk $0xffff, v63  }
0x115: {  	[tilespmem:v7+s24+$0x0] =	vst.idx.add.f32.msk $0xffff, v13  }
0x116: {  	[tilespmem:v8+s24+$0x0] =	vst.idx.add.f32.msk $0xffff, v14  }
0x117: {  	[tilespmem:v9+s24+$0x0] =	vst.idx.add.f32.msk $0xffff, v1  }
0x118: {  	s1 =	simm.s32 $0x0;
	s0 =	simm.s32 $0x148E0;
	[tilespmem:v5+s24+$0x0] =	vst.idx.add.f32.msk $0xffff, v62  }
.LBB2_8:
0x119: {  	v1 =	vld [tilespmem:s0+$0x30];
	s1 =	sadd.s32 $0x8, s1  }
0x11a: {  	v2 =	vld [tilespmem:s0+$0xFFFFFFD0];
	p0 =	slt.u32 s1, $0x3E0  }
0x11b: {  	s31 =	sadd.s32 $0x100, s31;
	v3 =	vld [tilespmem:s0+$0xFFFFFFE0]  }
0x11c: {  	v4 =	vld [tilespmem:s31+$0xFFFFFFF0]  }
0x11d: {  	v5 =	vld [tilespmem:s0+$0xFFFFFFF0]  }
0x11e: {  	v6 =	vld [tilespmem:s0+$0x0]  }
0x11f: {  	v7 =	vld [tilespmem:s0+$0x10]  }
0x120: {  	v8 =	vld [tilespmem:s0+$0x20]  }
0x121: {  	[tilespmem:v1+s2+$0x0] =	vst.idx.add.f32.msk $0xffff, v4  }
0x122: {  	v4 =	vld [tilespmem:s31+$0x70]  }
0x123: {  	v9 =	vld [tilespmem:s0+$0xFFFFFFC0]  }
0x124: {  	v10 =	vld [tilespmem:s31+$0xFFFFFF80]  }
0x125: {  	v11 =	vld [tilespmem:s31+$0xFFFFFF90]  }
0x126: {  	v12 =	vld [tilespmem:s31+$0xFFFFFFA0]  }
0x127: {  	[tilespmem:v1+s24+$0x0] =	vst.idx.add.f32.msk $0xffff, v4  }
0x128: {  	v1 =	vld [tilespmem:s31+$0xFFFFFFB0]  }
0x129: {  	v4 =	vld [tilespmem:s31+$0xFFFFFFC0]  }
0x12a: {  	v13 =	vld [tilespmem:s31+$0xFFFFFFD0]  }
0x12b: {  	v14 =	vld [tilespmem:s31+$0xFFFFFFE0]  }
0x12c: {  	[tilespmem:v9+s2+$0x0] =	vst.idx.add.f32.msk $0xffff, v10  }
0x12d: {  	[tilespmem:v2+s2+$0x0] =	vst.idx.add.f32.msk $0xffff, v11  }
0x12e: {  	[tilespmem:v3+s2+$0x0] =	vst.idx.add.f32.msk $0xffff, v12  }
0x12f: {  	[tilespmem:v5+s2+$0x0] =	vst.idx.add.f32.msk $0xffff, v1  }
0x130: {  	[tilespmem:v6+s2+$0x0] =	vst.idx.add.f32.msk $0xffff, v4  }
0x131: {  	[tilespmem:v7+s2+$0x0] =	vst.idx.add.f32.msk $0xffff, v13  }
0x132: {  	[tilespmem:v8+s2+$0x0] =	vst.idx.add.f32.msk $0xffff, v14  }
0x133: {  	v1 =	vld [tilespmem:s31+$0x0]  }
0x134: {  	v4 =	vld [tilespmem:s31+$0x10]  }
0x135: {  	v10 =	vld [tilespmem:s31+$0x20]  }
0x136: {  	v11 =	vld [tilespmem:s31+$0x30]  }
0x137: {  	v12 =	vld [tilespmem:s31+$0x40]  }
0x138: {  	v13 =	vld [tilespmem:s31+$0x50]  }
0x139: {  	v14 =	vld [tilespmem:s31+$0x60]  }
0x13a: {  	[tilespmem:v9+s24+$0x0] =	vst.idx.add.f32.msk $0xffff, v1  }
0x13b: {  	[tilespmem:v2+s24+$0x0] =	vst.idx.add.f32.msk $0xffff, v4  }
.Ltmp3:
0x13c: {  	[tilespmem:v3+s24+$0x0] =	vst.idx.add.f32.msk $0xffff, v10;
	(pc) =	sbr.rel @p0 .LBB2_8-.Ltmp3, $4  }
0x13d: {  	[tilespmem:v5+s24+$0x0] =	vst.idx.add.f32.msk $0xffff, v11  }
0x13e: {  	[tilespmem:v6+s24+$0x0] =	vst.idx.add.f32.msk $0xffff, v12  }
0x13f: {  	[tilespmem:v7+s24+$0x0] =	vst.idx.add.f32.msk $0xffff, v13  }
0x140: {  	s0 =	sadd.s32 $0x80, s0;
	[tilespmem:v8+s24+$0x0] =	vst.idx.add.f32.msk $0xffff, v14  }
0x141: {  	_ =	swait.ge [sflag:s25], $0x7D00  }
0x142: {  	[sflag:s25] =	ssyncset.done $0x0  }
0x143: {  	[sflag:s25] =	ssyncadd.s32 $0xFFFF8300  }
0x144: {  	_ =	swait.ge [sflag:s26], $0x3E80  }
0x145: {  	[sflag:s26] =	ssyncset.done $0x0  }
0x146: {  	[sflag:s26] =	ssyncadd.s32 $0xFFFFC180  }
0x147: {  	[tilespmem:s18], [sflag:$0x1] =	stream.strided.gather [hbm4b:s12+s16], $0x7D00, s17, s16, $0x38;
	[tilespmem:$0x1C520] =	vst v63  }
0x148: {  	s0 =	simm.s32 $0x18710  }
0x149: {  	[tilespmem:s20], [sflag:$0x3] =	stream.strided.gather [hbm4b:s13+s19], $0x3E80, s16, s19, $0x38;
	[tilespmem:$0x1C520] =	vst v63  }
0x14a: {  	v1 =	vld [tilespmem:s0+$0x0]  }
0x14b: {  	v2 =	vld [tilespmem:s0+$0xFFFFFFA0]  }
0x14c: {  	s31 =	simm.s32 $0xCB20;
	v3 =	vld [tilespmem:s0+$0xFFFFFFB0]  }
0x14d: {  	v4 =	vld [tilespmem:s31+$0x70]  }
0x14e: {  	v5 =	vld [tilespmem:s0+$0xFFFFFFC0]  }
0x14f: {  	v6 =	vld [tilespmem:s0+$0xFFFFFFD0]  }
0x150: {  	v7 =	vld [tilespmem:s0+$0xFFFFFFE0]  }
0x151: {  	v8 =	vld [tilespmem:s0+$0xFFFFFFF0]  }
0x152: {  	v9 =	vld [tilespmem:s0+$0xFFFFFF90]  }
0x153: {  	v10 =	vld [tilespmem:s31+$0x0]  }
0x154: {  	v11 =	vld [tilespmem:s31+$0x10]  }
0x155: {  	v12 =	vld [tilespmem:s31+$0x20]  }
0x156: {  	v59 =	vld [tilespmem:s31+$0x40]  }
0x157: {  	v13 =	vld [tilespmem:s31+$0x50]  }
0x158: {  	v14 =	vld [tilespmem:s31+$0x60]  }
0x159: {  	[tilespmem:v1+s2+$0x0] =	vst.idx.add.f32.msk $0xffff, v4  }
0x15a: {  	[tilespmem:v9+s2+$0x0] =	vst.idx.add.f32.msk $0xffff, v10  }
0x15b: {  	[tilespmem:v2+s2+$0x0] =	vst.idx.add.f32.msk $0xffff, v11  }
0x15c: {  	[tilespmem:v3+s2+$0x0] =	vst.idx.add.f32.msk $0xffff, v12  }
0x15d: {  	[tilespmem:v6+s2+$0x0] =	vst.idx.add.f32.msk $0xffff, v59  }
0x15e: {  	[tilespmem:v7+s2+$0x0] =	vst.idx.add.f32.msk $0xffff, v13  }
0x15f: {  	v4 =	vld [tilespmem:s31+$0xF0]  }
0x160: {  	[tilespmem:v8+s2+$0x0] =	vst.idx.add.f32.msk $0xffff, v14  }
0x161: {  	v60 =	vld [tilespmem:s31+$0x90]  }
0x162: {  	v61 =	vld [tilespmem:s31+$0xA0]  }
0x163: {  	v63 =	vld [tilespmem:s31+$0xC0]  }
0x164: {  	[tilespmem:v1+s24+$0x0] =	vst.idx.add.f32.msk $0xffff, v4  }
0x165: {  	v1 =	vld [tilespmem:s31+$0x30]  }
0x166: {  	v13 =	vld [tilespmem:s31+$0xD0]  }
0x167: {  	v14 =	vld [tilespmem:s31+$0xE0]  }
0x168: {  	[tilespmem:v2+s24+$0x0] =	vst.idx.add.f32.msk $0xffff, v60  }
0x169: {  	[tilespmem:v3+s24+$0x0] =	vst.idx.add.f32.msk $0xffff, v61  }
0x16a: {  	[tilespmem:v5+s2+$0x0] =	vst.idx.add.f32.msk $0xffff, v1  }
0x16b: {  	v1 =	vld [tilespmem:s31+$0x80]  }
0x16c: {  	v62 =	vld [tilespmem:s31+$0xB0]  }
0x16d: {  	[tilespmem:v6+s24+$0x0] =	vst.idx.add.f32.msk $0xffff, v63  }
0x16e: {  	[tilespmem:v7+s24+$0x0] =	vst.idx.add.f32.msk $0xffff, v13  }
0x16f: {  	[tilespmem:v8+s24+$0x0] =	vst.idx.add.f32.msk $0xffff, v14  }
0x170: {  	[tilespmem:v9+s24+$0x0] =	vst.idx.add.f32.msk $0xffff, v1  }
0x171: {  	s1 =	simm.s32 $0x0;
	s0 =	simm.s32 $0x18790;
	[tilespmem:v5+s24+$0x0] =	vst.idx.add.f32.msk $0xffff, v62  }
.LBB2_10:
0x172: {  	v1 =	vld [tilespmem:s0+$0x0];
	s1 =	sadd.s32 $0x8, s1  }
0x173: {  	v2 =	vld [tilespmem:s0+$0xFFFFFFA0];
	p0 =	slt.u32 s1, $0x3E0  }
0x174: {  	s31 =	sadd.s32 $0x100, s31;
	v3 =	vld [tilespmem:s0+$0xFFFFFFB0]  }
0x175: {  	v4 =	vld [tilespmem:s31+$0x70]  }
0x176: {  	v5 =	vld [tilespmem:s0+$0xFFFFFFC0]  }
0x177: {  	v6 =	vld [tilespmem:s0+$0xFFFFFFD0]  }
0x178: {  	v7 =	vld [tilespmem:s0+$0xFFFFFFE0]  }
0x179: {  	v8 =	vld [tilespmem:s0+$0xFFFFFFF0]  }
0x17a: {  	[tilespmem:v1+s2+$0x0] =	vst.idx.add.f32.msk $0xffff, v4  }
0x17b: {  	v4 =	vld [tilespmem:s31+$0xF0]  }
0x17c: {  	v9 =	vld [tilespmem:s0+$0xFFFFFF90]  }
0x17d: {  	v10 =	vld [tilespmem:s31+$0x0]  }
0x17e: {  	v11 =	vld [tilespmem:s31+$0x10]  }
0x17f: {  	v12 =	vld [tilespmem:s31+$0x20]  }
0x180: {  	[tilespmem:v1+s24+$0x0] =	vst.idx.add.f32.msk $0xffff, v4  }
0x181: {  	v1 =	vld [tilespmem:s31+$0x30]  }
0x182: {  	v4 =	vld [tilespmem:s31+$0x40]  }
0x183: {  	v13 =	vld [tilespmem:s31+$0x50]  }
0x184: {  	v14 =	vld [tilespmem:s31+$0x60]  }
0x185: {  	[tilespmem:v9+s2+$0x0] =	vst.idx.add.f32.msk $0xffff, v10  }
0x186: {  	[tilespmem:v2+s2+$0x0] =	vst.idx.add.f32.msk $0xffff, v11  }
0x187: {  	[tilespmem:v3+s2+$0x0] =	vst.idx.add.f32.msk $0xffff, v12  }
0x188: {  	[tilespmem:v5+s2+$0x0] =	vst.idx.add.f32.msk $0xffff, v1  }
0x189: {  	[tilespmem:v6+s2+$0x0] =	vst.idx.add.f32.msk $0xffff, v4  }
0x18a: {  	[tilespmem:v7+s2+$0x0] =	vst.idx.add.f32.msk $0xffff, v13  }
0x18b: {  	[tilespmem:v8+s2+$0x0] =	vst.idx.add.f32.msk $0xffff, v14  }
0x18c: {  	v1 =	vld [tilespmem:s31+$0x80]  }
0x18d: {  	v4 =	vld [tilespmem:s31+$0x90]  }
0x18e: {  	v10 =	vld [tilespmem:s31+$0xA0]  }
0x18f: {  	v11 =	vld [tilespmem:s31+$0xB0]  }
0x190: {  	v12 =	vld [tilespmem:s31+$0xC0]  }
0x191: {  	v13 =	vld [tilespmem:s31+$0xD0]  }
0x192: {  	v14 =	vld [tilespmem:s31+$0xE0]  }
0x193: {  	[tilespmem:v9+s24+$0x0] =	vst.idx.add.f32.msk $0xffff, v1  }
0x194: {  	[tilespmem:v2+s24+$0x0] =	vst.idx.add.f32.msk $0xffff, v4  }
.Ltmp4:
0x195: {  	[tilespmem:v3+s24+$0x0] =	vst.idx.add.f32.msk $0xffff, v10;
	(pc) =	sbr.rel @p0 .LBB2_10-.Ltmp4, $4  }
0x196: {  	[tilespmem:v5+s24+$0x0] =	vst.idx.add.f32.msk $0xffff, v11  }
0x197: {  	[tilespmem:v6+s24+$0x0] =	vst.idx.add.f32.msk $0xffff, v12  }
0x198: {  	[tilespmem:v7+s24+$0x0] =	vst.idx.add.f32.msk $0xffff, v13  }
0x199: {  	s0 =	sadd.s32 $0x80, s0;
	[tilespmem:v8+s24+$0x0] =	vst.idx.add.f32.msk $0xffff, v14  }
0x19a: {  	_ =	swait.ge [sflag:s3], $0x7D00  }
0x19b: {  	[sflag:s3] =	ssyncset.done $0x0  }
0x19c: {  	[sflag:s3] =	ssyncadd.s32 $0xFFFF8300  }
0x19d: {  	_ =	swait.ge [sflag:s21], $0x3E80  }
0x19e: {  	[sflag:s21] =	ssyncset.done $0x0  }
0x19f: {  	s0 =	simm.s32 $0x14860;
	[sflag:s21] =	ssyncadd.s32 $0xFFFFC180  }
0x1a0: {  	v1 =	vld [tilespmem:s0+$0x30]  }
0x1a1: {  	v2 =	vld [tilespmem:s0+$0xFFFFFFD0]  }
0x1a2: {  	s31 =	simm.s32 $0x4EA0;
	v3 =	vld [tilespmem:s0+$0xFFFFFFE0]  }
0x1a3: {  	v4 =	vld [tilespmem:s31+$0xFFFFFFF0]  }
0x1a4: {  	v5 =	vld [tilespmem:s0+$0xFFFFFFF0]  }
0x1a5: {  	v6 =	vld [tilespmem:s0+$0x0]  }
0x1a6: {  	v7 =	vld [tilespmem:s0+$0x10]  }
0x1a7: {  	v8 =	vld [tilespmem:s0+$0x20]  }
0x1a8: {  	v9 =	vld [tilespmem:s0+$0xFFFFFFC0]  }
0x1a9: {  	v10 =	vld [tilespmem:s31+$0xFFFFFF80]  }
0x1aa: {  	v11 =	vld [tilespmem:s31+$0xFFFFFF90]  }
0x1ab: {  	v12 =	vld [tilespmem:s31+$0xFFFFFFA0]  }
0x1ac: {  	v59 =	vld [tilespmem:s31+$0xFFFFFFC0]  }
0x1ad: {  	v13 =	vld [tilespmem:s31+$0xFFFFFFD0]  }
0x1ae: {  	v14 =	vld [tilespmem:s31+$0xFFFFFFE0]  }
0x1af: {  	[tilespmem:v1+s2+$0x0] =	vst.idx.add.f32.msk $0xffff, v4  }
0x1b0: {  	[tilespmem:v9+s2+$0x0] =	vst.idx.add.f32.msk $0xffff, v10  }
0x1b1: {  	[tilespmem:v2+s2+$0x0] =	vst.idx.add.f32.msk $0xffff, v11  }
0x1b2: {  	[tilespmem:v3+s2+$0x0] =	vst.idx.add.f32.msk $0xffff, v12  }
0x1b3: {  	[tilespmem:v6+s2+$0x0] =	vst.idx.add.f32.msk $0xffff, v59  }
0x1b4: {  	[tilespmem:v7+s2+$0x0] =	vst.idx.add.f32.msk $0xffff, v13  }
0x1b5: {  	v4 =	vld [tilespmem:s31+$0x70]  }
0x1b6: {  	[tilespmem:v8+s2+$0x0] =	vst.idx.add.f32.msk $0xffff, v14  }
0x1b7: {  	v60 =	vld [tilespmem:s31+$0x10]  }
0x1b8: {  	v61 =	vld [tilespmem:s31+$0x20]  }
0x1b9: {  	v63 =	vld [tilespmem:s31+$0x40]  }
0x1ba: {  	[tilespmem:v1+s24+$0x0] =	vst.idx.add.f32.msk $0xffff, v4  }
0x1bb: {  	v1 =	vld [tilespmem:s31+$0xFFFFFFB0]  }
0x1bc: {  	v13 =	vld [tilespmem:s31+$0x50]  }
0x1bd: {  	v14 =	vld [tilespmem:s31+$0x60]  }
0x1be: {  	[tilespmem:v2+s24+$0x0] =	vst.idx.add.f32.msk $0xffff, v60  }
0x1bf: {  	[tilespmem:v3+s24+$0x0] =	vst.idx.add.f32.msk $0xffff, v61  }
0x1c0: {  	[tilespmem:v5+s2+$0x0] =	vst.idx.add.f32.msk $0xffff, v1  }
0x1c1: {  	v1 =	vld [tilespmem:s31+$0x0]  }
0x1c2: {  	v62 =	vld [tilespmem:s31+$0x30]  }
0x1c3: {  	[tilespmem:v6+s24+$0x0] =	vst.idx.add.f32.msk $0xffff, v63  }
0x1c4: {  	[tilespmem:v7+s24+$0x0] =	vst.idx.add.f32.msk $0xffff, v13  }
0x1c5: {  	[tilespmem:v8+s24+$0x0] =	vst.idx.add.f32.msk $0xffff, v14  }
0x1c6: {  	[tilespmem:v9+s24+$0x0] =	vst.idx.add.f32.msk $0xffff, v1  }
0x1c7: {  	s1 =	simm.s32 $0x0;
	s0 =	simm.s32 $0x148E0;
	[tilespmem:v5+s24+$0x0] =	vst.idx.add.f32.msk $0xffff, v62  }
.LBB2_12:
0x1c8: {  	v1 =	vld [tilespmem:s0+$0x30];
	s1 =	sadd.s32 $0x8, s1  }
0x1c9: {  	v2 =	vld [tilespmem:s0+$0xFFFFFFD0];
	p0 =	slt.u32 s1, $0x3E0  }
0x1ca: {  	s31 =	sadd.s32 $0x100, s31;
	v3 =	vld [tilespmem:s0+$0xFFFFFFE0]  }
0x1cb: {  	v4 =	vld [tilespmem:s31+$0xFFFFFFF0]  }
0x1cc: {  	v5 =	vld [tilespmem:s0+$0xFFFFFFF0]  }
0x1cd: {  	v6 =	vld [tilespmem:s0+$0x0]  }
0x1ce: {  	v7 =	vld [tilespmem:s0+$0x10]  }
0x1cf: {  	v8 =	vld [tilespmem:s0+$0x20]  }
0x1d0: {  	[tilespmem:v1+s2+$0x0] =	vst.idx.add.f32.msk $0xffff, v4  }
0x1d1: {  	v4 =	vld [tilespmem:s31+$0x70]  }
0x1d2: {  	v9 =	vld [tilespmem:s0+$0xFFFFFFC0]  }
0x1d3: {  	v10 =	vld [tilespmem:s31+$0xFFFFFF80]  }
0x1d4: {  	v11 =	vld [tilespmem:s31+$0xFFFFFF90]  }
0x1d5: {  	v12 =	vld [tilespmem:s31+$0xFFFFFFA0]  }
0x1d6: {  	[tilespmem:v1+s24+$0x0] =	vst.idx.add.f32.msk $0xffff, v4  }
0x1d7: {  	v1 =	vld [tilespmem:s31+$0xFFFFFFB0]  }
0x1d8: {  	v4 =	vld [tilespmem:s31+$0xFFFFFFC0]  }
0x1d9: {  	v13 =	vld [tilespmem:s31+$0xFFFFFFD0]  }
0x1da: {  	v14 =	vld [tilespmem:s31+$0xFFFFFFE0]  }
0x1db: {  	[tilespmem:v9+s2+$0x0] =	vst.idx.add.f32.msk $0xffff, v10  }
0x1dc: {  	[tilespmem:v2+s2+$0x0] =	vst.idx.add.f32.msk $0xffff, v11  }
0x1dd: {  	[tilespmem:v3+s2+$0x0] =	vst.idx.add.f32.msk $0xffff, v12  }
0x1de: {  	[tilespmem:v5+s2+$0x0] =	vst.idx.add.f32.msk $0xffff, v1  }
0x1df: {  	[tilespmem:v6+s2+$0x0] =	vst.idx.add.f32.msk $0xffff, v4  }
0x1e0: {  	[tilespmem:v7+s2+$0x0] =	vst.idx.add.f32.msk $0xffff, v13  }
0x1e1: {  	[tilespmem:v8+s2+$0x0] =	vst.idx.add.f32.msk $0xffff, v14  }
0x1e2: {  	v1 =	vld [tilespmem:s31+$0x0]  }
0x1e3: {  	v4 =	vld [tilespmem:s31+$0x10]  }
0x1e4: {  	v10 =	vld [tilespmem:s31+$0x20]  }
0x1e5: {  	v11 =	vld [tilespmem:s31+$0x30]  }
0x1e6: {  	v12 =	vld [tilespmem:s31+$0x40]  }
0x1e7: {  	v13 =	vld [tilespmem:s31+$0x50]  }
0x1e8: {  	v14 =	vld [tilespmem:s31+$0x60]  }
0x1e9: {  	[tilespmem:v9+s24+$0x0] =	vst.idx.add.f32.msk $0xffff, v1  }
0x1ea: {  	[tilespmem:v2+s24+$0x0] =	vst.idx.add.f32.msk $0xffff, v4  }
.Ltmp5:
0x1eb: {  	[tilespmem:v3+s24+$0x0] =	vst.idx.add.f32.msk $0xffff, v10;
	(pc) =	sbr.rel @p0 .LBB2_12-.Ltmp5, $4  }
0x1ec: {  	[tilespmem:v5+s24+$0x0] =	vst.idx.add.f32.msk $0xffff, v11  }
0x1ed: {  	[tilespmem:v6+s24+$0x0] =	vst.idx.add.f32.msk $0xffff, v12  }
0x1ee: {  	[tilespmem:v7+s24+$0x0] =	vst.idx.add.f32.msk $0xffff, v13  }
0x1ef: {  	s0 =	sadd.s32 $0x80, s0;
	[tilespmem:v8+s24+$0x0] =	vst.idx.add.f32.msk $0xffff, v14  }
0x1f0: {  	s30 =	sadd.s32 $0x1, s30  }
0x1f1: {  	p0 =	sne.s32 s30, s15  }
.Ltmp6:
0x1f2: {  	_ = 	snop;
	(pc) =	sbr.rel @p0 .LBB2_1-.Ltmp6, $4  }
0x1f3: {  	[hbm4b:s14+s24] =	stream.strided.scatter [tilespmem:s2], [sflag:$0x5], $0x4E20, s28, s24, $0x38;
	[tilespmem:$0x1C520] =	vst v63  }
0x1f4: {  	_ =	swait.ge [sflag:s29], $0x4E20  }
0x1f5: {  	[sflag:s29] =	ssyncset.done $0x0  }
0x1f6: {  	[sflag:s29] =	ssyncadd.s32 $0xFFFFB1E0  }
0x1f7: {  	_ =	sfence.sel $0x180000  }
0x1f8: {  	[bflag:$0x0] =	sbarrier.arrive $0xFFFF  }
0x1f9: {  	_ =	strace $0x90000047  }
0x1fa: {  	s0 =	stileid.u32;
	[bflag:$0x2] =	sbarrier.arrive $0xFFFF  }
0x1fb: {  	p0 =	sne.s32 s0, $0x0;
	s0 =	rddreg [dreg:$0x3]  }
0x1fc: {  	s0 =	sadd.s32 @!p0 $0x100000, s0  }
0x1fd: {  	[sflag:s0] =	ssyncadd.tile.s32 @!p0 $0x1;
	_ =	shalt  }
.Lfunc_end2:
_tile_overlayer_lowered:
.L_overlay_start_2:
0x1fe: {  	(tag) =	ssettag $0x2  }
0x1ff: {  	s0 =	rddreg [dreg:$0x0];
	s2 =	stileid.u32  }
0x200: {  	s1 =	rddreg [dreg:$0x1];
	p0 =	sne.s32 s2, $0x0  }
0x201: {  	s3 =	rddreg [dreg:$0x2];
	[bflag:$0x3] =	sbarrier.arrive $0xFFFF;
	s2 =	simm.s32 @!p0 $0x1C05  }
0x202: {  	[timem:s3], [sflag:s2] =	dma.local @!p0 [hbm:s0], s1  }
0x203: {  	s0 =	simm.s32 @!p0 $0x5  }
0x204: {  	_ =	swait.ge @!p0 [sflag:s0], s1  }
0x205: {  	s1 =	ssub.s32 @!p0 $0x0, s1;
	[sflag:s0] =	ssyncset.done @!p0 $0x0  }
0x206: {  	[sflag:s0] =	ssyncadd.s32 @!p0 s1  }
0x207: {  	[bflag:$0x3] =	sbarrier.arrive $0xFFFF  }
0x208: {  	_ =	shalt  }

</sc_bundles>
